<compile_context>
chip_gen: v7x
topology: tpu7x:2x2x1
jax: 0.10.2.dev20260603
libtpu: 0.0.44.dev20260713+nightly
codegen_flags: <defaults>
</compile_context>

<pallas_src>
import functools

import jax
import jax.numpy as jnp
from jax import lax
from jax.experimental import pallas as pl
from jax.experimental.pallas import tpu as pltpu
from jax.experimental.pallas import tpu_sc as plsc

_LANES = 128


@functools.cache
def _build(batch, vocab, embed):
    info = plsc.get_sparse_core_info()
    nc, ns = info.num_cores, info.num_subcores
    nw = nc * ns
    b_per_w = batch // nw
    assert batch % (8 * nw) == 0

    mesh = plsc.VectorSubcoreMesh(core_axis_name="c", subcore_axis_name="s")

    @functools.partial(
        pl.kernel,
        mesh=mesh,
        out_type=jax.ShapeDtypeStruct((batch, _LANES), jnp.float32),
        scratch_types=[
            pltpu.VMEM((b_per_w,), jnp.int32),
            pltpu.VMEM((b_per_w, _LANES), jnp.float32),
            pltpu.SemaphoreType.DMA,
        ],
    )
    def gather_kernel(idx_hbm, table_hbm, out_hbm, idx_v, rows_v, gsem):
        wid = lax.axis_index("s") * nc + lax.axis_index("c")
        base = wid * b_per_w
        pltpu.sync_copy(idx_hbm.at[pl.ds(base, b_per_w)], idx_v)

        def body(c, _):
            vec = idx_v[pl.ds(c * 16, 16)]
            for j in range(16):
                r = vec[j]
                pltpu.async_copy(
                    table_hbm.at[r],
                    rows_v.at[c * 16 + j, pl.ds(0, embed)],
                    gsem,
                )
            return 0

        lax.fori_loop(0, b_per_w // 16, body, 0)

        pltpu.make_async_copy(
            out_hbm.at[pl.ds(0, b_per_w // 2)],
            rows_v.at[pl.ds(0, b_per_w // 2), :],
            gsem,
        ).wait()
        pltpu.sync_copy(rows_v, out_hbm.at[pl.ds(base, b_per_w)])

    return gather_kernel


def kernel(inputs, embeddings):
    vocab, embed = embeddings.shape
    (batch,) = inputs.shape
    wide = _build(batch, vocab, embed)(inputs, embeddings)
    return wide[:, :embed]

# --- scband reference (transcript-rebuilt; emitter-appended) ---
"""Pipeline reference for scband-word2vec-embedding-63522566308504 (READ-ONLY COPY).

The authoritative reference and input builder live on the scoring server;
editing this copy changes nothing except your own understanding.
"""

import jax, jax.numpy as jnp
import numpy as np

VOCAB = 1000000
EMBED = 64
BATCH = 16384

def setup_inputs(seed: int = 0) -> dict:
    key = jax.random.key(seed)
    k_idx, k_emb = jax.random.split(key)
    inputs = jax.random.randint(k_idx, (BATCH,), 0, VOCAB, dtype=jnp.int64 if jax.config.jax_enable_x64 else jnp.int32).astype(jnp.int32)
    # E_init = random_uniform(minval=-1.0, maxval=1.0)
    embeddings = jax.random.uniform(k_emb, (VOCAB, EMBED), dtype=jnp.float32, minval=-1.0, maxval=1.0)
    return {"inputs": inputs, "embeddings": embeddings}

def reference(inputs, embeddings):
    # Word2vecEmbedding.forward with activate_nce_loss=False:
    # outputs = tf.nn.embedding_lookup(params=self.embeddings, ids=ids)
    outputs = jnp.take(embeddings, inputs, axis=0)
    return outputs

if __name__ == "__main__":
    import jax
    _d = setup_inputs()
    print(jax.jit(kernel)(*tuple(_d.values())))

</pallas_src>

<mosaic_0001>
#map = affine_map<(d0, d1) -> (0)>
#map1 = affine_map<(d0, d1) -> (0, 0)>
module attributes {stable_mosaic.version = 14 : i64} {
  func.func @gather_kernel(%arg0: i32, %arg1: i32, %arg2: memref<16384xi32, #tpu.memory_space<hbm>>, %arg3: memref<1000000x64xf32, #tpu.memory_space<hbm>>, %arg4: memref<16384x128xf32, #tpu.memory_space<hbm>>, %arg5: memref<512xi32, #tpu.memory_space<vmem>>, %arg6: memref<512x128xf32, #tpu.memory_space<vmem>>, %arg7: memref<!tpu.dma_semaphore, #tpu.memory_space<semaphore_mem>>) attributes {dimension_semantics = [#tpu.dimension_semantics<core_parallel>, #tpu.dimension_semantics<subcore_parallel>], iteration_bounds = array<i64: 2, 16>, scalar_prefetch = 0 : i64, scratch_operands = 3 : i64, tpu.core_type = #tpu.core_type<sc_vector_subcore>, window_params = [{transform_indices = #map}, {transform_indices = #map1}, {transform_indices = #map1}]} {
    %mul3A = arith.constant 2 : i32
    %mul3A_0 = arith.muli %arg1, %mul3A : i32
    %add3A = arith.addi %mul3A_0, %arg0 : i32
    %mul3A_1 = arith.constant 512 : i32
    %mul3A_2 = arith.muli %add3A, %mul3A_1 : i32
    "tpu.region"() ({
      %run_scoped3A = tpu.sem_alloc : memref<!tpu.dma_semaphore, #tpu.memory_space<semaphore_mem>>
      %dma_start3A = tpu.memref_slice %arg2[%mul3A_2] : memref<16384xi32, #tpu.memory_space<hbm>> -> memref<512xi32, #tpu.memory_space<hbm>>
      %dma_start3A_20 = tpu.memref_slice %arg2[%mul3A_2] : memref<16384xi32, #tpu.memory_space<hbm>> -> memref<512xi32, #tpu.memory_space<hbm>>
      tpu.enqueue_dma source(%dma_start3A_20 : memref<512xi32, #tpu.memory_space<hbm>>) target(%arg5 : memref<512xi32, #tpu.memory_space<vmem>>) target_semaphore(%run_scoped3A : memref<!tpu.dma_semaphore, #tpu.memory_space<semaphore_mem>>)
      %dma_wait3A_21 = tpu.memref_slice %arg2[%mul3A_2] : memref<16384xi32, #tpu.memory_space<hbm>> -> memref<512xi32, #tpu.memory_space<hbm>>
      %dma_wait3A_22 = tpu.memref_slice %arg2[%mul3A_2] : memref<16384xi32, #tpu.memory_space<hbm>> -> memref<512xi32, #tpu.memory_space<hbm>>
      tpu.wait_dma2 semaphore(%run_scoped3A : memref<!tpu.dma_semaphore, #tpu.memory_space<semaphore_mem>>) src(%dma_wait3A_22 : memref<512xi32, #tpu.memory_space<hbm>>) dst(%arg5 : memref<512xi32, #tpu.memory_space<vmem>>)
      tpu.yield
    }) : () -> ()
    %scan3A = arith.constant 0 : i32
    %scan3A_3 = arith.constant 0 : i32
    %scan3A_4 = arith.constant 32 : i32
    %scan3A_5 = arith.addi %scan3A_3, %scan3A_4 : i32
    %scan3A_6 = arith.constant 1 : i32
    %scan3A_7 = scf.for %scan3A_20 = %scan3A_3 to %scan3A_5 step %scan3A_6 iter_args(%scan3A_21 = %scan3A) -> (i32)  : i32 {
      %mul3A_22 = arith.constant 16 : i32
      %mul3A_23 = arith.muli %scan3A_20, %mul3A_22 : i32
      %get3A = arith.index_cast %mul3A_23 : i32 to index
      %get3A_24 = tpu.vector_load %arg5[%get3A] {strides = array<i32>} : memref<512xi32, #tpu.memory_space<vmem>>, vector<16xi32>,
      %get3A_25 = vector.shape_cast %get3A_24 : vector<16xi32> to vector<16xi32>
      %slice3A = vector.extract_strided_slice %get3A_25 {offsets = [0], sizes = [1], strides = [1]} : vector<16xi32> to vector<1xi32>
      %squeeze3A = vector.extract %slice3A[0] : i32 from vector<1xi32>
      %mul3A_26 = arith.constant 16 : i32
      %mul3A_27 = arith.muli %scan3A_20, %mul3A_26 : i32
      %add3A_28 = arith.constant 0 : i32
      %add3A_29 = arith.addi %mul3A_27, %add3A_28 : i32
      %dma_start3A = arith.constant 0 : i32
      %dma_start3A_30 = tpu.memref_slice %arg6[%add3A_29, %dma_start3A] : memref<512x128xf32, #tpu.memory_space<vmem>> -> memref<1x64xf32, #tpu.memory_space<vmem>>
      %dma_start3A_31 = tpu.memref_squeeze %dma_start3A_30 : memref<1x64xf32, #tpu.memory_space<vmem>> -> memref<64xf32, #tpu.memory_space<vmem>>
      %dma_start3A_32 = arith.constant 0 : i32
      %dma_start3A_33 = tpu.memref_slice %arg3[%squeeze3A, %dma_start3A_32] : memref<1000000x64xf32, #tpu.memory_space<hbm>> -> memref<1x64xf32, #tpu.memory_space<hbm>>
      %dma_start3A_34 = tpu.memref_squeeze %dma_start3A_33 : memref<1x64xf32, #tpu.memory_space<hbm>> -> memref<64xf32, #tpu.memory_space<hbm>>
      %dma_start3A_35 = arith.constant 0 : i32
      %dma_start3A_36 = tpu.memref_slice %arg6[%add3A_29, %dma_start3A_35] : memref<512x128xf32, #tpu.memory_space<vmem>> -> memref<1x64xf32, #tpu.memory_space<vmem>>
      %dma_start3A_37 = tpu.memref_squeeze %dma_start3A_36 : memref<1x64xf32, #tpu.memory_space<vmem>> -> memref<64xf32, #tpu.memory_space<vmem>>
      %dma_start3A_38 = arith.constant 0 : i32
      %dma_start3A_39 = tpu.memref_slice %arg3[%squeeze3A, %dma_start3A_38] : memref<1000000x64xf32, #tpu.memory_space<hbm>> -> memref<1x64xf32, #tpu.memory_space<hbm>>
      %dma_start3A_40 = tpu.memref_squeeze %dma_start3A_39 : memref<1x64xf32, #tpu.memory_space<hbm>> -> memref<64xf32, #tpu.memory_space<hbm>>
      tpu.enqueue_dma source(%dma_start3A_40 : memref<64xf32, #tpu.memory_space<hbm>>) target(%dma_start3A_37 : memref<64xf32, #tpu.memory_space<vmem>>) target_semaphore(%arg7 : memref<!tpu.dma_semaphore, #tpu.memory_space<semaphore_mem>>)
      %slice3A_41 = vector.extract_strided_slice %get3A_25 {offsets = [1], sizes = [1], strides = [1]} : vector<16xi32> to vector<1xi32>
      %squeeze3A_42 = vector.extract %slice3A_41[0] : i32 from vector<1xi32>
      %mul3A_43 = arith.constant 16 : i32
      %mul3A_44 = arith.muli %scan3A_20, %mul3A_43 : i32
      %add3A_45 = arith.constant 1 : i32
      %add3A_46 = arith.addi %mul3A_44, %add3A_45 : i32
      %dma_start3A_47 = arith.constant 0 : i32
      %dma_start3A_48 = tpu.memref_slice %arg6[%add3A_46, %dma_start3A_47] : memref<512x128xf32, #tpu.memory_space<vmem>> -> memref<1x64xf32, #tpu.memory_space<vmem>>
      %dma_start3A_49 = tpu.memref_squeeze %dma_start3A_48 : memref<1x64xf32, #tpu.memory_space<vmem>> -> memref<64xf32, #tpu.memory_space<vmem>>
      %dma_start3A_50 = arith.constant 0 : i32
      %dma_start3A_51 = tpu.memref_slice %arg3[%squeeze3A_42, %dma_start3A_50] : memref<1000000x64xf32, #tpu.memory_space<hbm>> -> memref<1x64xf32, #tpu.memory_space<hbm>>
      %dma_start3A_52 = tpu.memref_squeeze %dma_start3A_51 : memref<1x64xf32, #tpu.memory_space<hbm>> -> memref<64xf32, #tpu.memory_space<hbm>>
      %dma_start3A_53 = arith.constant 0 : i32
      %dma_start3A_54 = tpu.memref_slice %arg6[%add3A_46, %dma_start3A_53] : memref<512x128xf32, #tpu.memory_space<vmem>> -> memref<1x64xf32, #tpu.memory_space<vmem>>
      %dma_start3A_55 = tpu.memref_squeeze %dma_start3A_54 : memref<1x64xf32, #tpu.memory_space<vmem>> -> memref<64xf32, #tpu.memory_space<vmem>>
      %dma_start3A_56 = arith.constant 0 : i32
      %dma_start3A_57 = tpu.memref_slice %arg3[%squeeze3A_42, %dma_start3A_56] : memref<1000000x64xf32, #tpu.memory_space<hbm>> -> memref<1x64xf32, #tpu.memory_space<hbm>>
      %dma_start3A_58 = tpu.memref_squeeze %dma_start3A_57 : memref<1x64xf32, #tpu.memory_space<hbm>> -> memref<64xf32, #tpu.memory_space<hbm>>
      tpu.enqueue_dma source(%dma_start3A_58 : memref<64xf32, #tpu.memory_space<hbm>>) target(%dma_start3A_55 : memref<64xf32, #tpu.memory_space<vmem>>) target_semaphore(%arg7 : memref<!tpu.dma_semaphore, #tpu.memory_space<semaphore_mem>>)
      %slice3A_59 = vector.extract_strided_slice %get3A_25 {offsets = [2], sizes = [1], strides = [1]} : vector<16xi32> to vector<1xi32>
      %squeeze3A_60 = vector.extract %slice3A_59[0] : i32 from vector<1xi32>
      %mul3A_61 = arith.constant 16 : i32
      %mul3A_62 = arith.muli %scan3A_20, %mul3A_61 : i32
      %add3A_63 = arith.constant 2 : i32
      %add3A_64 = arith.addi %mul3A_62, %add3A_63 : i32
      %dma_start3A_65 = arith.constant 0 : i32
      %dma_start3A_66 = tpu.memref_slice %arg6[%add3A_64, %dma_start3A_65] : memref<512x128xf32, #tpu.memory_space<vmem>> -> memref<1x64xf32, #tpu.memory_space<vmem>>
      %dma_start3A_67 = tpu.memref_squeeze %dma_start3A_66 : memref<1x64xf32, #tpu.memory_space<vmem>> -> memref<64xf32, #tpu.memory_space<vmem>>
      %dma_start3A_68 = arith.constant 0 : i32
      %dma_start3A_69 = tpu.memref_slice %arg3[%squeeze3A_60, %dma_start3A_68] : memref<1000000x64xf32, #tpu.memory_space<hbm>> -> memref<1x64xf32, #tpu.memory_space<hbm>>
      %dma_start3A_70 = tpu.memref_squeeze %dma_start3A_69 : memref<1x64xf32, #tpu.memory_space<hbm>> -> memref<64xf32, #tpu.memory_space<hbm>>
      %dma_start3A_71 = arith.constant 0 : i32
      %dma_start3A_72 = tpu.memref_slice %arg6[%add3A_64, %dma_start3A_71] : memref<512x128xf32, #tpu.memory_space<vmem>> -> memref<1x64xf32, #tpu.memory_space<vmem>>
      %dma_start3A_73 = tpu.memref_squeeze %dma_start3A_72 : memref<1x64xf32, #tpu.memory_space<vmem>> -> memref<64xf32, #tpu.memory_space<vmem>>
      %dma_start3A_74 = arith.constant 0 : i32
      %dma_start3A_75 = tpu.memref_slice %arg3[%squeeze3A_60, %dma_start3A_74] : memref<1000000x64xf32, #tpu.memory_space<hbm>> -> memref<1x64xf32, #tpu.memory_space<hbm>>
      %dma_start3A_76 = tpu.memref_squeeze %dma_start3A_75 : memref<1x64xf32, #tpu.memory_space<hbm>> -> memref<64xf32, #tpu.memory_space<hbm>>
      tpu.enqueue_dma source(%dma_start3A_76 : memref<64xf32, #tpu.memory_space<hbm>>) target(%dma_start3A_73 : memref<64xf32, #tpu.memory_space<vmem>>) target_semaphore(%arg7 : memref<!tpu.dma_semaphore, #tpu.memory_space<semaphore_mem>>)
      %slice3A_77 = vector.extract_strided_slice %get3A_25 {offsets = [3], sizes = [1], strides = [1]} : vector<16xi32> to vector<1xi32>
      %squeeze3A_78 = vector.extract %slice3A_77[0] : i32 from vector<1xi32>
      %mul3A_79 = arith.constant 16 : i32
      %mul3A_80 = arith.muli %scan3A_20, %mul3A_79 : i32
      %add3A_81 = arith.constant 3 : i32
      %add3A_82 = arith.addi %mul3A_80, %add3A_81 : i32
      %dma_start3A_83 = arith.constant 0 : i32
      %dma_start3A_84 = tpu.memref_slice %arg6[%add3A_82, %dma_start3A_83] : memref<512x128xf32, #tpu.memory_space<vmem>> -> memref<1x64xf32, #tpu.memory_space<vmem>>
      %dma_start3A_85 = tpu.memref_squeeze %dma_start3A_84 : memref<1x64xf32, #tpu.memory_space<vmem>> -> memref<64xf32, #tpu.memory_space<vmem>>
      %dma_start3A_86 = arith.constant 0 : i32
      %dma_start3A_87 = tpu.memref_slice %arg3[%squeeze3A_78, %dma_start3A_86] : memref<1000000x64xf32, #tpu.memory_space<hbm>> -> memref<1x64xf32, #tpu.memory_space<hbm>>
      %dma_start3A_88 = tpu.memref_squeeze %dma_start3A_87 : memref<1x64xf32, #tpu.memory_space<hbm>> -> memref<64xf32, #tpu.memory_space<hbm>>
      %dma_start3A_89 = arith.constant 0 : i32
      %dma_start3A_90 = tpu.memref_slice %arg6[%add3A_82, %dma_start3A_89] : memref<512x128xf32, #tpu.memory_space<vmem>> -> memref<1x64xf32, #tpu.memory_space<vmem>>
      %dma_start3A_91 = tpu.memref_squeeze %dma_start3A_90 : memref<1x64xf32, #tpu.memory_space<vmem>> -> memref<64xf32, #tpu.memory_space<vmem>>
      %dma_start3A_92 = arith.constant 0 : i32
      %dma_start3A_93 = tpu.memref_slice %arg3[%squeeze3A_78, %dma_start3A_92] : memref<1000000x64xf32, #tpu.memory_space<hbm>> -> memref<1x64xf32, #tpu.memory_space<hbm>>
      %dma_start3A_94 = tpu.memref_squeeze %dma_start3A_93 : memref<1x64xf32, #tpu.memory_space<hbm>> -> memref<64xf32, #tpu.memory_space<hbm>>
      tpu.enqueue_dma source(%dma_start3A_94 : memref<64xf32, #tpu.memory_space<hbm>>) target(%dma_start3A_91 : memref<64xf32, #tpu.memory_space<vmem>>) target_semaphore(%arg7 : memref<!tpu.dma_semaphore, #tpu.memory_space<semaphore_mem>>)
      %slice3A_95 = vector.extract_strided_slice %get3A_25 {offsets = [4], sizes = [1], strides = [1]} : vector<16xi32> to vector<1xi32>
      %squeeze3A_96 = vector.extract %slice3A_95[0] : i32 from vector<1xi32>
      %mul3A_97 = arith.constant 16 : i32
      %mul3A_98 = arith.muli %scan3A_20, %mul3A_97 : i32
      %add3A_99 = arith.constant 4 : i32
      %add3A_100 = arith.addi %mul3A_98, %add3A_99 : i32
      %dma_start3A_101 = arith.constant 0 : i32
      %dma_start3A_102 = tpu.memref_slice %arg6[%add3A_100, %dma_start3A_101] : memref<512x128xf32, #tpu.memory_space<vmem>> -> memref<1x64xf32, #tpu.memory_space<vmem>>
      %dma_start3A_103 = tpu.memref_squeeze %dma_start3A_102 : memref<1x64xf32, #tpu.memory_space<vmem>> -> memref<64xf32, #tpu.memory_space<vmem>>
      %dma_start3A_104 = arith.constant 0 : i32
      %dma_start3A_105 = tpu.memref_slice %arg3[%squeeze3A_96, %dma_start3A_104] : memref<1000000x64xf32, #tpu.memory_space<hbm>> -> memref<1x64xf32, #tpu.memory_space<hbm>>
      %dma_start3A_106 = tpu.memref_squeeze %dma_start3A_105 : memref<1x64xf32, #tpu.memory_space<hbm>> -> memref<64xf32, #tpu.memory_space<hbm>>
      %dma_start3A_107 = arith.constant 0 : i32
      %dma_start3A_108 = tpu.memref_slice %arg6[%add3A_100, %dma_start3A_107] : memref<512x128xf32, #tpu.memory_space<vmem>> -> memref<1x64xf32, #tpu.memory_space<vmem>>
      %dma_start3A_109 = tpu.memref_squeeze %dma_start3A_108 : memref<1x64xf32, #tpu.memory_space<vmem>> -> memref<64xf32, #tpu.memory_space<vmem>>
      %dma_start3A_110 = arith.constant 0 : i32
      %dma_start3A_111 = tpu.memref_slice %arg3[%squeeze3A_96, %dma_start3A_110] : memref<1000000x64xf32, #tpu.memory_space<hbm>> -> memref<1x64xf32, #tpu.memory_space<hbm>>
      %dma_start3A_112 = tpu.memref_squeeze %dma_start3A_111 : memref<1x64xf32, #tpu.memory_space<hbm>> -> memref<64xf32, #tpu.memory_space<hbm>>
      tpu.enqueue_dma source(%dma_start3A_112 : memref<64xf32, #tpu.memory_space<hbm>>) target(%dma_start3A_109 : memref<64xf32, #tpu.memory_space<vmem>>) target_semaphore(%arg7 : memref<!tpu.dma_semaphore, #tpu.memory_space<semaphore_mem>>)
      %slice3A_113 = vector.extract_strided_slice %get3A_25 {offsets = [5], sizes = [1], strides = [1]} : vector<16xi32> to vector<1xi32>
      %squeeze3A_114 = vector.extract %slice3A_113[0] : i32 from vector<1xi32>
      %mul3A_115 = arith.constant 16 : i32
      %mul3A_116 = arith.muli %scan3A_20, %mul3A_115 : i32
      %add3A_117 = arith.constant 5 : i32
      %add3A_118 = arith.addi %mul3A_116, %add3A_117 : i32
      %dma_start3A_119 = arith.constant 0 : i32
      %dma_start3A_120 = tpu.memref_slice %arg6[%add3A_118, %dma_start3A_119] : memref<512x128xf32, #tpu.memory_space<vmem>> -> memref<1x64xf32, #tpu.memory_space<vmem>>
      %dma_start3A_121 = tpu.memref_squeeze %dma_start3A_120 : memref<1x64xf32, #tpu.memory_space<vmem>> -> memref<64xf32, #tpu.memory_space<vmem>>
      %dma_start3A_122 = arith.constant 0 : i32
      %dma_start3A_123 = tpu.memref_slice %arg3[%squeeze3A_114, %dma_start3A_122] : memref<1000000x64xf32, #tpu.memory_space<hbm>> -> memref<1x64xf32, #tpu.memory_space<hbm>>
      %dma_start3A_124 = tpu.memref_squeeze %dma_start3A_123 : memref<1x64xf32, #tpu.memory_space<hbm>> -> memref<64xf32, #tpu.memory_space<hbm>>
      %dma_start3A_125 = arith.constant 0 : i32
      %dma_start3A_126 = tpu.memref_slice %arg6[%add3A_118, %dma_start3A_125] : memref<512x128xf32, #tpu.memory_space<vmem>> -> memref<1x64xf32, #tpu.memory_space<vmem>>
      %dma_start3A_127 = tpu.memref_squeeze %dma_start3A_126 : memref<1x64xf32, #tpu.memory_space<vmem>> -> memref<64xf32, #tpu.memory_space<vmem>>
      %dma_start3A_128 = arith.constant 0 : i32
      %dma_start3A_129 = tpu.memref_slice %arg3[%squeeze3A_114, %dma_start3A_128] : memref<1000000x64xf32, #tpu.memory_space<hbm>> -> memref<1x64xf32, #tpu.memory_space<hbm>>
      %dma_start3A_130 = tpu.memref_squeeze %dma_start3A_129 : memref<1x64xf32, #tpu.memory_space<hbm>> -> memref<64xf32, #tpu.memory_space<hbm>>
      tpu.enqueue_dma source(%dma_start3A_130 : memref<64xf32, #tpu.memory_space<hbm>>) target(%dma_start3A_127 : memref<64xf32, #tpu.memory_space<vmem>>) target_semaphore(%arg7 : memref<!tpu.dma_semaphore, #tpu.memory_space<semaphore_mem>>)
      %slice3A_131 = vector.extract_strided_slice %get3A_25 {offsets = [6], sizes = [1], strides = [1]} : vector<16xi32> to vector<1xi32>
      %squeeze3A_132 = vector.extract %slice3A_131[0] : i32 from vector<1xi32>
      %mul3A_133 = arith.constant 16 : i32
      %mul3A_134 = arith.muli %scan3A_20, %mul3A_133 : i32
      %add3A_135 = arith.constant 6 : i32
      %add3A_136 = arith.addi %mul3A_134, %add3A_135 : i32
      %dma_start3A_137 = arith.constant 0 : i32
      %dma_start3A_138 = tpu.memref_slice %arg6[%add3A_136, %dma_start3A_137] : memref<512x128xf32, #tpu.memory_space<vmem>> -> memref<1x64xf32, #tpu.memory_space<vmem>>
      %dma_start3A_139 = tpu.memref_squeeze %dma_start3A_138 : memref<1x64xf32, #tpu.memory_space<vmem>> -> memref<64xf32, #tpu.memory_space<vmem>>
      %dma_start3A_140 = arith.constant 0 : i32
      %dma_start3A_141 = tpu.memref_slice %arg3[%squeeze3A_132, %dma_start3A_140] : memref<1000000x64xf32, #tpu.memory_space<hbm>> -> memref<1x64xf32, #tpu.memory_space<hbm>>
      %dma_start3A_142 = tpu.memref_squeeze %dma_start3A_141 : memref<1x64xf32, #tpu.memory_space<hbm>> -> memref<64xf32, #tpu.memory_space<hbm>>
      %dma_start3A_143 = arith.constant 0 : i32
      %dma_start3A_144 = tpu.memref_slice %arg6[%add3A_136, %dma_start3A_143] : memref<512x128xf32, #tpu.memory_space<vmem>> -> memref<1x64xf32, #tpu.memory_space<vmem>>
      %dma_start3A_145 = tpu.memref_squeeze %dma_start3A_144 : memref<1x64xf32, #tpu.memory_space<vmem>> -> memref<64xf32, #tpu.memory_space<vmem>>
      %dma_start3A_146 = arith.constant 0 : i32
      %dma_start3A_147 = tpu.memref_slice %arg3[%squeeze3A_132, %dma_start3A_146] : memref<1000000x64xf32, #tpu.memory_space<hbm>> -> memref<1x64xf32, #tpu.memory_space<hbm>>
      %dma_start3A_148 = tpu.memref_squeeze %dma_start3A_147 : memref<1x64xf32, #tpu.memory_space<hbm>> -> memref<64xf32, #tpu.memory_space<hbm>>
      tpu.enqueue_dma source(%dma_start3A_148 : memref<64xf32, #tpu.memory_space<hbm>>) target(%dma_start3A_145 : memref<64xf32, #tpu.memory_space<vmem>>) target_semaphore(%arg7 : memref<!tpu.dma_semaphore, #tpu.memory_space<semaphore_mem>>)
      %slice3A_149 = vector.extract_strided_slice %get3A_25 {offsets = [7], sizes = [1], strides = [1]} : vector<16xi32> to vector<1xi32>
      %squeeze3A_150 = vector.extract %slice3A_149[0] : i32 from vector<1xi32>
      %mul3A_151 = arith.constant 16 : i32
      %mul3A_152 = arith.muli %scan3A_20, %mul3A_151 : i32
      %add3A_153 = arith.constant 7 : i32
      %add3A_154 = arith.addi %mul3A_152, %add3A_153 : i32
      %dma_start3A_155 = arith.constant 0 : i32
      %dma_start3A_156 = tpu.memref_slice %arg6[%add3A_154, %dma_start3A_155] : memref<512x128xf32, #tpu.memory_space<vmem>> -> memref<1x64xf32, #tpu.memory_space<vmem>>
      %dma_start3A_157 = tpu.memref_squeeze %dma_start3A_156 : memref<1x64xf32, #tpu.memory_space<vmem>> -> memref<64xf32, #tpu.memory_space<vmem>>
      %dma_start3A_158 = arith.constant 0 : i32
      %dma_start3A_159 = tpu.memref_slice %arg3[%squeeze3A_150, %dma_start3A_158] : memref<1000000x64xf32, #tpu.memory_space<hbm>> -> memref<1x64xf32, #tpu.memory_space<hbm>>
      %dma_start3A_160 = tpu.memref_squeeze %dma_start3A_159 : memref<1x64xf32, #tpu.memory_space<hbm>> -> memref<64xf32, #tpu.memory_space<hbm>>
      %dma_start3A_161 = arith.constant 0 : i32
      %dma_start3A_162 = tpu.memref_slice %arg6[%add3A_154, %dma_start3A_161] : memref<512x128xf32, #tpu.memory_space<vmem>> -> memref<1x64xf32, #tpu.memory_space<vmem>>
      %dma_start3A_163 = tpu.memref_squeeze %dma_start3A_162 : memref<1x64xf32, #tpu.memory_space<vmem>> -> memref<64xf32, #tpu.memory_space<vmem>>
      %dma_start3A_164 = arith.constant 0 : i32
      %dma_start3A_165 = tpu.memref_slice %arg3[%squeeze3A_150, %dma_start3A_164] : memref<1000000x64xf32, #tpu.memory_space<hbm>> -> memref<1x64xf32, #tpu.memory_space<hbm>>
      %dma_start3A_166 = tpu.memref_squeeze %dma_start3A_165 : memref<1x64xf32, #tpu.memory_space<hbm>> -> memref<64xf32, #tpu.memory_space<hbm>>
      tpu.enqueue_dma source(%dma_start3A_166 : memref<64xf32, #tpu.memory_space<hbm>>) target(%dma_start3A_163 : memref<64xf32, #tpu.memory_space<vmem>>) target_semaphore(%arg7 : memref<!tpu.dma_semaphore, #tpu.memory_space<semaphore_mem>>)
      %slice3A_167 = vector.extract_strided_slice %get3A_25 {offsets = [8], sizes = [1], strides = [1]} : vector<16xi32> to vector<1xi32>
      %squeeze3A_168 = vector.extract %slice3A_167[0] : i32 from vector<1xi32>
      %mul3A_169 = arith.constant 16 : i32
      %mul3A_170 = arith.muli %scan3A_20, %mul3A_169 : i32
      %add3A_171 = arith.constant 8 : i32
      %add3A_172 = arith.addi %mul3A_170, %add3A_171 : i32
      %dma_start3A_173 = arith.constant 0 : i32
      %dma_start3A_174 = tpu.memref_slice %arg6[%add3A_172, %dma_start3A_173] : memref<512x128xf32, #tpu.memory_space<vmem>> -> memref<1x64xf32, #tpu.memory_space<vmem>>
      %dma_start3A_175 = tpu.memref_squeeze %dma_start3A_174 : memref<1x64xf32, #tpu.memory_space<vmem>> -> memref<64xf32, #tpu.memory_space<vmem>>
      %dma_start3A_176 = arith.constant 0 : i32
      %dma_start3A_177 = tpu.memref_slice %arg3[%squeeze3A_168, %dma_start3A_176] : memref<1000000x64xf32, #tpu.memory_space<hbm>> -> memref<1x64xf32, #tpu.memory_space<hbm>>
      %dma_start3A_178 = tpu.memref_squeeze %dma_start3A_177 : memref<1x64xf32, #tpu.memory_space<hbm>> -> memref<64xf32, #tpu.memory_space<hbm>>
      %dma_start3A_179 = arith.constant 0 : i32
      %dma_start3A_180 = tpu.memref_slice %arg6[%add3A_172, %dma_start3A_179] : memref<512x128xf32, #tpu.memory_space<vmem>> -> memref<1x64xf32, #tpu.memory_space<vmem>>
      %dma_start3A_181 = tpu.memref_squeeze %dma_start3A_180 : memref<1x64xf32, #tpu.memory_space<vmem>> -> memref<64xf32, #tpu.memory_space<vmem>>
      %dma_start3A_182 = arith.constant 0 : i32
      %dma_start3A_183 = tpu.memref_slice %arg3[%squeeze3A_168, %dma_start3A_182] : memref<1000000x64xf32, #tpu.memory_space<hbm>> -> memref<1x64xf32, #tpu.memory_space<hbm>>
      %dma_start3A_184 = tpu.memref_squeeze %dma_start3A_183 : memref<1x64xf32, #tpu.memory_space<hbm>> -> memref<64xf32, #tpu.memory_space<hbm>>
      tpu.enqueue_dma source(%dma_start3A_184 : memref<64xf32, #tpu.memory_space<hbm>>) target(%dma_start3A_181 : memref<64xf32, #tpu.memory_space<vmem>>) target_semaphore(%arg7 : memref<!tpu.dma_semaphore, #tpu.memory_space<semaphore_mem>>)
      %slice3A_185 = vector.extract_strided_slice %get3A_25 {offsets = [9], sizes = [1], strides = [1]} : vector<16xi32> to vector<1xi32>
      %squeeze3A_186 = vector.extract %slice3A_185[0] : i32 from vector<1xi32>
      %mul3A_187 = arith.constant 16 : i32
      %mul3A_188 = arith.muli %scan3A_20, %mul3A_187 : i32
      %add3A_189 = arith.constant 9 : i32
      %add3A_190 = arith.addi %mul3A_188, %add3A_189 : i32
      %dma_start3A_191 = arith.constant 0 : i32
      %dma_start3A_192 = tpu.memref_slice %arg6[%add3A_190, %dma_start3A_191] : memref<512x128xf32, #tpu.memory_space<vmem>> -> memref<1x64xf32, #tpu.memory_space<vmem>>
      %dma_start3A_193 = tpu.memref_squeeze %dma_start3A_192 : memref<1x64xf32, #tpu.memory_space<vmem>> -> memref<64xf32, #tpu.memory_space<vmem>>
      %dma_start3A_194 = arith.constant 0 : i32
      %dma_start3A_195 = tpu.memref_slice %arg3[%squeeze3A_186, %dma_start3A_194] : memref<1000000x64xf32, #tpu.memory_space<hbm>> -> memref<1x64xf32, #tpu.memory_space<hbm>>
      %dma_start3A_196 = tpu.memref_squeeze %dma_start3A_195 : memref<1x64xf32, #tpu.memory_space<hbm>> -> memref<64xf32, #tpu.memory_space<hbm>>
      %dma_start3A_197 = arith.constant 0 : i32
      %dma_start3A_198 = tpu.memref_slice %arg6[%add3A_190, %dma_start3A_197] : memref<512x128xf32, #tpu.memory_space<vmem>> -> memref<1x64xf32, #tpu.memory_space<vmem>>
      %dma_start3A_199 = tpu.memref_squeeze %dma_start3A_198 : memref<1x64xf32, #tpu.memory_space<vmem>> -> memref<64xf32, #tpu.memory_space<vmem>>
      %dma_start3A_200 = arith.constant 0 : i32
      %dma_start3A_201 = tpu.memref_slice %arg3[%squeeze3A_186, %dma_start3A_200] : memref<1000000x64xf32, #tpu.memory_space<hbm>> -> memref<1x64xf32, #tpu.memory_space<hbm>>
      %dma_start3A_202 = tpu.memref_squeeze %dma_start3A_201 : memref<1x64xf32, #tpu.memory_space<hbm>> -> memref<64xf32, #tpu.memory_space<hbm>>
      tpu.enqueue_dma source(%dma_start3A_202 : memref<64xf32, #tpu.memory_space<hbm>>) target(%dma_start3A_199 : memref<64xf32, #tpu.memory_space<vmem>>) target_semaphore(%arg7 : memref<!tpu.dma_semaphore, #tpu.memory_space<semaphore_mem>>)
      %slice3A_203 = vector.extract_strided_slice %get3A_25 {offsets = [10], sizes = [1], strides = [1]} : vector<16xi32> to vector<1xi32>
      %squeeze3A_204 = vector.extract %slice3A_203[0] : i32 from vector<1xi32>
      %mul3A_205 = arith.constant 16 : i32
      %mul3A_206 = arith.muli %scan3A_20, %mul3A_205 : i32
      %add3A_207 = arith.constant 10 : i32
      %add3A_208 = arith.addi %mul3A_206, %add3A_207 : i32
      %dma_start3A_209 = arith.constant 0 : i32
      %dma_start3A_210 = tpu.memref_slice %arg6[%add3A_208, %dma_start3A_209] : memref<512x128xf32, #tpu.memory_space<vmem>> -> memref<1x64xf32, #tpu.memory_space<vmem>>
      %dma_start3A_211 = tpu.memref_squeeze %dma_start3A_210 : memref<1x64xf32, #tpu.memory_space<vmem>> -> memref<64xf32, #tpu.memory_space<vmem>>
      %dma_start3A_212 = arith.constant 0 : i32
      %dma_start3A_213 = tpu.memref_slice %arg3[%squeeze3A_204, %dma_start3A_212] : memref<1000000x64xf32, #tpu.memory_space<hbm>> -> memref<1x64xf32, #tpu.memory_space<hbm>>
      %dma_start3A_214 = tpu.memref_squeeze %dma_start3A_213 : memref<1x64xf32, #tpu.memory_space<hbm>> -> memref<64xf32, #tpu.memory_space<hbm>>
      %dma_start3A_215 = arith.constant 0 : i32
      %dma_start3A_216 = tpu.memref_slice %arg6[%add3A_208, %dma_start3A_215] : memref<512x128xf32, #tpu.memory_space<vmem>> -> memref<1x64xf32, #tpu.memory_space<vmem>>
      %dma_start3A_217 = tpu.memref_squeeze %dma_start3A_216 : memref<1x64xf32, #tpu.memory_space<vmem>> -> memref<64xf32, #tpu.memory_space<vmem>>
      %dma_start3A_218 = arith.constant 0 : i32
      %dma_start3A_219 = tpu.memref_slice %arg3[%squeeze3A_204, %dma_start3A_218] : memref<1000000x64xf32, #tpu.memory_space<hbm>> -> memref<1x64xf32, #tpu.memory_space<hbm>>
      %dma_start3A_220 = tpu.memref_squeeze %dma_start3A_219 : memref<1x64xf32, #tpu.memory_space<hbm>> -> memref<64xf32, #tpu.memory_space<hbm>>
      tpu.enqueue_dma source(%dma_start3A_220 : memref<64xf32, #tpu.memory_space<hbm>>) target(%dma_start3A_217 : memref<64xf32, #tpu.memory_space<vmem>>) target_semaphore(%arg7 : memref<!tpu.dma_semaphore, #tpu.memory_space<semaphore_mem>>)
      %slice3A_221 = vector.extract_strided_slice %get3A_25 {offsets = [11], sizes = [1], strides = [1]} : vector<16xi32> to vector<1xi32>
      %squeeze3A_222 = vector.extract %slice3A_221[0] : i32 from vector<1xi32>
      %mul3A_223 = arith.constant 16 : i32
      %mul3A_224 = arith.muli %scan3A_20, %mul3A_223 : i32
      %add3A_225 = arith.constant 11 : i32
      %add3A_226 = arith.addi %mul3A_224, %add3A_225 : i32
      %dma_start3A_227 = arith.constant 0 : i32
      %dma_start3A_228 = tpu.memref_slice %arg6[%add3A_226, %dma_start3A_227] : memref<512x128xf32, #tpu.memory_space<vmem>> -> memref<1x64xf32, #tpu.memory_space<vmem>>
      %dma_start3A_229 = tpu.memref_squeeze %dma_start3A_228 : memref<1x64xf32, #tpu.memory_space<vmem>> -> memref<64xf32, #tpu.memory_space<vmem>>
      %dma_start3A_230 = arith.constant 0 : i32
      %dma_start3A_231 = tpu.memref_slice %arg3[%squeeze3A_222, %dma_start3A_230] : memref<1000000x64xf32, #tpu.memory_space<hbm>> -> memref<1x64xf32, #tpu.memory_space<hbm>>
      %dma_start3A_232 = tpu.memref_squeeze %dma_start3A_231 : memref<1x64xf32, #tpu.memory_space<hbm>> -> memref<64xf32, #tpu.memory_space<hbm>>
      %dma_start3A_233 = arith.constant 0 : i32
      %dma_start3A_234 = tpu.memref_slice %arg6[%add3A_226, %dma_start3A_233] : memref<512x128xf32, #tpu.memory_space<vmem>> -> memref<1x64xf32, #tpu.memory_space<vmem>>
      %dma_start3A_235 = tpu.memref_squeeze %dma_start3A_234 : memref<1x64xf32, #tpu.memory_space<vmem>> -> memref<64xf32, #tpu.memory_space<vmem>>
      %dma_start3A_236 = arith.constant 0 : i32
      %dma_start3A_237 = tpu.memref_slice %arg3[%squeeze3A_222, %dma_start3A_236] : memref<1000000x64xf32, #tpu.memory_space<hbm>> -> memref<1x64xf32, #tpu.memory_space<hbm>>
      %dma_start3A_238 = tpu.memref_squeeze %dma_start3A_237 : memref<1x64xf32, #tpu.memory_space<hbm>> -> memref<64xf32, #tpu.memory_space<hbm>>
      tpu.enqueue_dma source(%dma_start3A_238 : memref<64xf32, #tpu.memory_space<hbm>>) target(%dma_start3A_235 : memref<64xf32, #tpu.memory_space<vmem>>) target_semaphore(%arg7 : memref<!tpu.dma_semaphore, #tpu.memory_space<semaphore_mem>>)
      %slice3A_239 = vector.extract_strided_slice %get3A_25 {offsets = [12], sizes = [1], strides = [1]} : vector<16xi32> to vector<1xi32>
      %squeeze3A_240 = vector.extract %slice3A_239[0] : i32 from vector<1xi32>
      %mul3A_241 = arith.constant 16 : i32
      %mul3A_242 = arith.muli %scan3A_20, %mul3A_241 : i32
      %add3A_243 = arith.constant 12 : i32
      %add3A_244 = arith.addi %mul3A_242, %add3A_243 : i32
      %dma_start3A_245 = arith.constant 0 : i32
      %dma_start3A_246 = tpu.memref_slice %arg6[%add3A_244, %dma_start3A_245] : memref<512x128xf32, #tpu.memory_space<vmem>> -> memref<1x64xf32, #tpu.memory_space<vmem>>
      %dma_start3A_247 = tpu.memref_squeeze %dma_start3A_246 : memref<1x64xf32, #tpu.memory_space<vmem>> -> memref<64xf32, #tpu.memory_space<vmem>>
      %dma_start3A_248 = arith.constant 0 : i32
      %dma_start3A_249 = tpu.memref_slice %arg3[%squeeze3A_240, %dma_start3A_248] : memref<1000000x64xf32, #tpu.memory_space<hbm>> -> memref<1x64xf32, #tpu.memory_space<hbm>>
      %dma_start3A_250 = tpu.memref_squeeze %dma_start3A_249 : memref<1x64xf32, #tpu.memory_space<hbm>> -> memref<64xf32, #tpu.memory_space<hbm>>
      %dma_start3A_251 = arith.constant 0 : i32
      %dma_start3A_252 = tpu.memref_slice %arg6[%add3A_244, %dma_start3A_251] : memref<512x128xf32, #tpu.memory_space<vmem>> -> memref<1x64xf32, #tpu.memory_space<vmem>>
      %dma_start3A_253 = tpu.memref_squeeze %dma_start3A_252 : memref<1x64xf32, #tpu.memory_space<vmem>> -> memref<64xf32, #tpu.memory_space<vmem>>
      %dma_start3A_254 = arith.constant 0 : i32
      %dma_start3A_255 = tpu.memref_slice %arg3[%squeeze3A_240, %dma_start3A_254] : memref<1000000x64xf32, #tpu.memory_space<hbm>> -> memref<1x64xf32, #tpu.memory_space<hbm>>
      %dma_start3A_256 = tpu.memref_squeeze %dma_start3A_255 : memref<1x64xf32, #tpu.memory_space<hbm>> -> memref<64xf32, #tpu.memory_space<hbm>>
      tpu.enqueue_dma source(%dma_start3A_256 : memref<64xf32, #tpu.memory_space<hbm>>) target(%dma_start3A_253 : memref<64xf32, #tpu.memory_space<vmem>>) target_semaphore(%arg7 : memref<!tpu.dma_semaphore, #tpu.memory_space<semaphore_mem>>)
      %slice3A_257 = vector.extract_strided_slice %get3A_25 {offsets = [13], sizes = [1], strides = [1]} : vector<16xi32> to vector<1xi32>
      %squeeze3A_258 = vector.extract %slice3A_257[0] : i32 from vector<1xi32>
      %mul3A_259 = arith.constant 16 : i32
      %mul3A_260 = arith.muli %scan3A_20, %mul3A_259 : i32
      %add3A_261 = arith.constant 13 : i32
      %add3A_262 = arith.addi %mul3A_260, %add3A_261 : i32
      %dma_start3A_263 = arith.constant 0 : i32
      %dma_start3A_264 = tpu.memref_slice %arg6[%add3A_262, %dma_start3A_263] : memref<512x128xf32, #tpu.memory_space<vmem>> -> memref<1x64xf32, #tpu.memory_space<vmem>>
      %dma_start3A_265 = tpu.memref_squeeze %dma_start3A_264 : memref<1x64xf32, #tpu.memory_space<vmem>> -> memref<64xf32, #tpu.memory_space<vmem>>
      %dma_start3A_266 = arith.constant 0 : i32
      %dma_start3A_267 = tpu.memref_slice %arg3[%squeeze3A_258, %dma_start3A_266] : memref<1000000x64xf32, #tpu.memory_space<hbm>> -> memref<1x64xf32, #tpu.memory_space<hbm>>
      %dma_start3A_268 = tpu.memref_squeeze %dma_start3A_267 : memref<1x64xf32, #tpu.memory_space<hbm>> -> memref<64xf32, #tpu.memory_space<hbm>>
      %dma_start3A_269 = arith.constant 0 : i32
      %dma_start3A_270 = tpu.memref_slice %arg6[%add3A_262, %dma_start3A_269] : memref<512x128xf32, #tpu.memory_space<vmem>> -> memref<1x64xf32, #tpu.memory_space<vmem>>
      %dma_start3A_271 = tpu.memref_squeeze %dma_start3A_270 : memref<1x64xf32, #tpu.memory_space<vmem>> -> memref<64xf32, #tpu.memory_space<vmem>>
      %dma_start3A_272 = arith.constant 0 : i32
      %dma_start3A_273 = tpu.memref_slice %arg3[%squeeze3A_258, %dma_start3A_272] : memref<1000000x64xf32, #tpu.memory_space<hbm>> -> memref<1x64xf32, #tpu.memory_space<hbm>>
      %dma_start3A_274 = tpu.memref_squeeze %dma_start3A_273 : memref<1x64xf32, #tpu.memory_space<hbm>> -> memref<64xf32, #tpu.memory_space<hbm>>
      tpu.enqueue_dma source(%dma_start3A_274 : memref<64xf32, #tpu.memory_space<hbm>>) target(%dma_start3A_271 : memref<64xf32, #tpu.memory_space<vmem>>) target_semaphore(%arg7 : memref<!tpu.dma_semaphore, #tpu.memory_space<semaphore_mem>>)
      %slice3A_275 = vector.extract_strided_slice %get3A_25 {offsets = [14], sizes = [1], strides = [1]} : vector<16xi32> to vector<1xi32>
      %squeeze3A_276 = vector.extract %slice3A_275[0] : i32 from vector<1xi32>
      %mul3A_277 = arith.constant 16 : i32
      %mul3A_278 = arith.muli %scan3A_20, %mul3A_277 : i32
      %add3A_279 = arith.constant 14 : i32
      %add3A_280 = arith.addi %mul3A_278, %add3A_279 : i32
      %dma_start3A_281 = arith.constant 0 : i32
      %dma_start3A_282 = tpu.memref_slice %arg6[%add3A_280, %dma_start3A_281] : memref<512x128xf32, #tpu.memory_space<vmem>> -> memref<1x64xf32, #tpu.memory_space<vmem>>
      %dma_start3A_283 = tpu.memref_squeeze %dma_start3A_282 : memref<1x64xf32, #tpu.memory_space<vmem>> -> memref<64xf32, #tpu.memory_space<vmem>>
      %dma_start3A_284 = arith.constant 0 : i32
      %dma_start3A_285 = tpu.memref_slice %arg3[%squeeze3A_276, %dma_start3A_284] : memref<1000000x64xf32, #tpu.memory_space<hbm>> -> memref<1x64xf32, #tpu.memory_space<hbm>>
      %dma_start3A_286 = tpu.memref_squeeze %dma_start3A_285 : memref<1x64xf32, #tpu.memory_space<hbm>> -> memref<64xf32, #tpu.memory_space<hbm>>
      %dma_start3A_287 = arith.constant 0 : i32
      %dma_start3A_288 = tpu.memref_slice %arg6[%add3A_280, %dma_start3A_287] : memref<512x128xf32, #tpu.memory_space<vmem>> -> memref<1x64xf32, #tpu.memory_space<vmem>>
      %dma_start3A_289 = tpu.memref_squeeze %dma_start3A_288 : memref<1x64xf32, #tpu.memory_space<vmem>> -> memref<64xf32, #tpu.memory_space<vmem>>
      %dma_start3A_290 = arith.constant 0 : i32
      %dma_start3A_291 = tpu.memref_slice %arg3[%squeeze3A_276, %dma_start3A_290] : memref<1000000x64xf32, #tpu.memory_space<hbm>> -> memref<1x64xf32, #tpu.memory_space<hbm>>
      %dma_start3A_292 = tpu.memref_squeeze %dma_start3A_291 : memref<1x64xf32, #tpu.memory_space<hbm>> -> memref<64xf32, #tpu.memory_space<hbm>>
      tpu.enqueue_dma source(%dma_start3A_292 : memref<64xf32, #tpu.memory_space<hbm>>) target(%dma_start3A_289 : memref<64xf32, #tpu.memory_space<vmem>>) target_semaphore(%arg7 : memref<!tpu.dma_semaphore, #tpu.memory_space<semaphore_mem>>)
      %slice3A_293 = vector.extract_strided_slice %get3A_25 {offsets = [15], sizes = [1], strides = [1]} : vector<16xi32> to vector<1xi32>
      %squeeze3A_294 = vector.extract %slice3A_293[0] : i32 from vector<1xi32>
      %mul3A_295 = arith.constant 16 : i32
      %mul3A_296 = arith.muli %scan3A_20, %mul3A_295 : i32
      %add3A_297 = arith.constant 15 : i32
      %add3A_298 = arith.addi %mul3A_296, %add3A_297 : i32
      %dma_start3A_299 = arith.constant 0 : i32
      %dma_start3A_300 = tpu.memref_slice %arg6[%add3A_298, %dma_start3A_299] : memref<512x128xf32, #tpu.memory_space<vmem>> -> memref<1x64xf32, #tpu.memory_space<vmem>>
      %dma_start3A_301 = tpu.memref_squeeze %dma_start3A_300 : memref<1x64xf32, #tpu.memory_space<vmem>> -> memref<64xf32, #tpu.memory_space<vmem>>
      %dma_start3A_302 = arith.constant 0 : i32
      %dma_start3A_303 = tpu.memref_slice %arg3[%squeeze3A_294, %dma_start3A_302] : memref<1000000x64xf32, #tpu.memory_space<hbm>> -> memref<1x64xf32, #tpu.memory_space<hbm>>
      %dma_start3A_304 = tpu.memref_squeeze %dma_start3A_303 : memref<1x64xf32, #tpu.memory_space<hbm>> -> memref<64xf32, #tpu.memory_space<hbm>>
      %dma_start3A_305 = arith.constant 0 : i32
      %dma_start3A_306 = tpu.memref_slice %arg6[%add3A_298, %dma_start3A_305] : memref<512x128xf32, #tpu.memory_space<vmem>> -> memref<1x64xf32, #tpu.memory_space<vmem>>
      %dma_start3A_307 = tpu.memref_squeeze %dma_start3A_306 : memref<1x64xf32, #tpu.memory_space<vmem>> -> memref<64xf32, #tpu.memory_space<vmem>>
      %dma_start3A_308 = arith.constant 0 : i32
      %dma_start3A_309 = tpu.memref_slice %arg3[%squeeze3A_294, %dma_start3A_308] : memref<1000000x64xf32, #tpu.memory_space<hbm>> -> memref<1x64xf32, #tpu.memory_space<hbm>>
      %dma_start3A_310 = tpu.memref_squeeze %dma_start3A_309 : memref<1x64xf32, #tpu.memory_space<hbm>> -> memref<64xf32, #tpu.memory_space<hbm>>
      tpu.enqueue_dma source(%dma_start3A_310 : memref<64xf32, #tpu.memory_space<hbm>>) target(%dma_start3A_307 : memref<64xf32, #tpu.memory_space<vmem>>) target_semaphore(%arg7 : memref<!tpu.dma_semaphore, #tpu.memory_space<semaphore_mem>>)
      %scan3A_311 = arith.constant 0 : i32
      scf.yield %scan3A_311 : i32
    }
    %scan3A_8 = arith.constant 32 : i32
    %dma_wait3A = arith.constant 0 : i32
    %dma_wait3A_9 = arith.constant 0 : i32
    %dma_wait3A_10 = tpu.memref_slice %arg6[%dma_wait3A, %dma_wait3A_9] : memref<512x128xf32, #tpu.memory_space<vmem>> -> memref<256x128xf32, #tpu.memory_space<vmem>>
    %dma_wait3A_11 = arith.constant 0 : i32
    %dma_wait3A_12 = arith.constant 0 : i32
    %dma_wait3A_13 = tpu.memref_slice %arg4[%dma_wait3A_11, %dma_wait3A_12] : memref<16384x128xf32, #tpu.memory_space<hbm>> -> memref<256x128xf32, #tpu.memory_space<hbm>>
    %dma_wait3A_14 = arith.constant 0 : i32
    %dma_wait3A_15 = arith.constant 0 : i32
    %dma_wait3A_16 = tpu.memref_slice %arg6[%dma_wait3A_14, %dma_wait3A_15] : memref<512x128xf32, #tpu.memory_space<vmem>> -> memref<256x128xf32, #tpu.memory_space<vmem>>
    %dma_wait3A_17 = arith.constant 0 : i32
    %dma_wait3A_18 = arith.constant 0 : i32
    %dma_wait3A_19 = tpu.memref_slice %arg4[%dma_wait3A_17, %dma_wait3A_18] : memref<16384x128xf32, #tpu.memory_space<hbm>> -> memref<256x128xf32, #tpu.memory_space<hbm>>
    tpu.wait_dma2 semaphore(%arg7 : memref<!tpu.dma_semaphore, #tpu.memory_space<semaphore_mem>>) src(%dma_wait3A_19 : memref<256x128xf32, #tpu.memory_space<hbm>>) dst(%dma_wait3A_16 : memref<256x128xf32, #tpu.memory_space<vmem>>)
    "tpu.region"() ({
      %run_scoped3A = tpu.sem_alloc : memref<!tpu.dma_semaphore, #tpu.memory_space<semaphore_mem>>
      %dma_start3A = arith.constant 0 : i32
      %dma_start3A_20 = tpu.memref_slice %arg4[%mul3A_2, %dma_start3A] : memref<16384x128xf32, #tpu.memory_space<hbm>> -> memref<512x128xf32, #tpu.memory_space<hbm>>
      %dma_start3A_21 = arith.constant 0 : i32
      %dma_start3A_22 = tpu.memref_slice %arg4[%mul3A_2, %dma_start3A_21] : memref<16384x128xf32, #tpu.memory_space<hbm>> -> memref<512x128xf32, #tpu.memory_space<hbm>>
      tpu.enqueue_dma source(%arg6 : memref<512x128xf32, #tpu.memory_space<vmem>>) target(%dma_start3A_22 : memref<512x128xf32, #tpu.memory_space<hbm>>) target_semaphore(%run_scoped3A : memref<!tpu.dma_semaphore, #tpu.memory_space<semaphore_mem>>)
      %dma_wait3A_23 = arith.constant 0 : i32
      %dma_wait3A_24 = tpu.memref_slice %arg4[%mul3A_2, %dma_wait3A_23] : memref<16384x128xf32, #tpu.memory_space<hbm>> -> memref<512x128xf32, #tpu.memory_space<hbm>>
      %dma_wait3A_25 = arith.constant 0 : i32
      %dma_wait3A_26 = tpu.memref_slice %arg4[%mul3A_2, %dma_wait3A_25] : memref<16384x128xf32, #tpu.memory_space<hbm>> -> memref<512x128xf32, #tpu.memory_space<hbm>>
      tpu.wait_dma2 semaphore(%run_scoped3A : memref<!tpu.dma_semaphore, #tpu.memory_space<semaphore_mem>>) src(%arg6 : memref<512x128xf32, #tpu.memory_space<vmem>>) dst(%dma_wait3A_26 : memref<512x128xf32, #tpu.memory_space<hbm>>)
      tpu.yield
    }) : () -> ()
    return
  }
}

</mosaic_0001>

<sc_bundles>
// kernel: kernel.3.cloned.1.call-start
scs
__scs_entry_jumppad:
0x0: {  	(pc) =	sbr.rel $0x88, $3  }
0x1: {  	(tag) =	ssettag $0x0;
	lr =	simm.s32 $0x1  }
0x2: {  	[smem:$0x3F9F] =	sst lr;
	_ =	strace $0xD0000000  }
0x3: {  	_ = 	snop  }
0x4: {  	_ = 	snop  }
0x5: {  	_ = 	snop  }
0x6: {  	_ = 	snop  }
0x7: {  	_ = 	snop  }
__scs_overlays_trampoline_lowered:
0x8: {  	[smem:$0x3FAE] =	sst s0  }
0x9: {  	[smem:$0x3FAF] =	sst s1  }
0xa: {  	[smem:$0x3FB0] =	sst s2  }
0xb: {  	[smem:$0x3FB1] =	sst s3  }
0xc: {  	[smem:$0x3FB2] =	sst s4  }
0xd: {  	[smem:$0x3FB3] =	sst s5  }
0xe: {  	[smem:$0x3FB4] =	sst s6  }
0xf: {  	[smem:$0x3FB5] =	sst s7  }
0x10: {  	[smem:$0x3FB6] =	sst s8  }
0x11: {  	[smem:$0x3FB7] =	sst s9;
	s0 =	simm.s32 @!p0 $0x0  }
0x12: {  	s1 =	sld [smem:$0x3F9D];
	s0 =	simm.s32 @p0 $0x1  }
0x13: {  	[smem:$0x3FB8] =	sst s0;
	s0 =	simm.s32 @!p1 $0x0  }
0x14: {  	s2 =	sld [smem:$0x3F9C];
	s0 =	simm.s32 @p1 $0x1  }
0x15: {  	[smem:$0x3FB9] =	sst s0;
	s0 =	simm.s32 @!p2 $0x0  }
0x16: {  	s3 =	sld [smem:$0x3FDB];
	s0 =	simm.s32 @p2 $0x1  }
0x17: {  	s4 =	simm.s32 $0x1BF5;
	[smem:$0x3FBB] =	sst s0  }
0x18: {  	s0 =	sld [smem:$0x3F9E];
	_ =	swait.ge [sflag:s4], $0x0  }
0x19: {  	s7 =	sld [smem:$0x3F9F]  }
0x1a: {  	s8 =	sadd.s32 $0xFFFFE003, lr  }
0x1b: {  	s9 =	sadd.s32 $0xFFFFFEF7, lr;
	s5 =	simm.s32 $0xFFFFFFFF;
	p2 =	slt.u32 s8, $0xFFFFF086  }
0x1c: {  	p1 =	slt.u32 s9, $0xF7A;
	s5 =	simm.s32 @!p2 $0x0  }
0x1d: {  	s5 =	simm.s32 @p1 $0x1;
	p0 =	seq.s32 s7, s2  }
0x1e: {  	s7 =	smul.u32 @!p0 $0xF7A, s2;
	p2 =	seq.s32 @!p0 s5, $0x0  }
0x1f: {  	s9 =	smul.u32 $0xF7A, s1;
	s8 =	simm.s32 @!p0 $0x1BF5;
	p2 =	por !p2, p0  }
0x20: {  	[sflag:s8] =	ssyncset.s32 @!p0 $0xFFFFF086;
	s6 =	sadd.s32 @!p0 s3, s7;
	s7 =	simm.s32 @!p0 $0x108  }
0x21: {  	s3 =	sadd.s32 s3, s9;
	s6 =	sadd.s32 @!p0 $0x88, s6;
	s7 =	simm.s32 @p2 $0x1082  }
0x22: {  	[simem:s7], [sflag:s8] =	dma.local @!p0 [hbm:s6], $0xF7A  }
0x23: {  	s9 =	sor.u32 $0xD0000000, s2;
	s6 =	simm.s32 $0x108;
	_ =	swait.ge @!p0 [sflag:s8], $0x0  }
0x24: {  	s3 =	sadd.s32 $0x88, s3;
	s6 =	simm.s32 @!p1 $0x1082;
	[sflag:s4] =	ssyncset.s32 $0xFFFFF086  }
0x25: {  	[simem:s6], [sflag:s4] =	dma.local [hbm:s3], $0xF7A  }
0x26: {  	[smem:$0x3F9F] =	sst s1;
	(tag) =	ssettag s2;
	_ =	strace s9  }
0x27: {  	s1 =	sld [smem:$0x3FAF]  }
0x28: {  	s2 =	sld [smem:$0x3FB0]  }
0x29: {  	s4 =	sld [smem:$0x3FB2]  }
0x2a: {  	p0 =	seq.s32 s5, $0x0;
	s5 =	sld [smem:$0x3FB3]  }
0x2b: {  	s6 =	sld [smem:$0x3FB4]  }
0x2c: {  	s7 =	sld [smem:$0x3FB5]  }
0x2d: {  	s3 =	simm.s32 $0x108;
	s8 =	sld [smem:$0x3FB6]  }
0x2e: {  	s3 =	simm.s32 @!p0 $0x1082;
	s9 =	sld [smem:$0x3FB7]  }
0x2f: {  	lr =	sadd.s32 s0, s3;
	s0 =	sld [smem:$0x3FAE]  }
0x30: {  	s3 =	sld [smem:$0x3FB1]  }
0x31: {  	[smem:$0x3FBA] =	sst s10  }
0x32: {  	s10 =	sld [smem:$0x3FB8];
	_ =	sdelay $0x3  }
0x33: {  	p0 =	seq.s32 s10, $0x1;
	s10 =	sld [smem:$0x3FBA];
	_ =	sdelay $0x3  }
0x34: {  	[smem:$0x3FBA] =	sst s10  }
0x35: {  	s10 =	sld [smem:$0x3FB9];
	_ =	sdelay $0x3  }
0x36: {  	p1 =	seq.s32 s10, $0x1;
	s10 =	sld [smem:$0x3FBA];
	_ =	sdelay $0x3  }
0x37: {  	[smem:$0x3FBA] =	sst s10  }
0x38: {  	s10 =	sld [smem:$0x3FBB]  }
0x39: {  	_ = 	snop;
	(pc) =	sbr.ind lr, $3  }
0x3a: {  	_ = 	snop  }
0x3b: {  	_ = 	snop  }
0x3c: {  	p2 =	seq.s32 s10, $0x1;
	s10 =	sld [smem:$0x3FBA]  }
0x3d: {  	_ =	shalt  }
0x3e: {  	_ =	shalt  }
0x3f: {  	_ =	shalt  }
0x40: {  	_ =	shalt  }
0x41: {  	_ =	shalt  }
0x42: {  	_ =	shalt  }
0x43: {  	_ =	shalt  }
0x44: {  	_ =	shalt  }
0x45: {  	_ =	shalt  }
0x46: {  	_ =	shalt  }
0x47: {  	_ =	shalt  }
0x48: {  	_ =	shalt  }
0x49: {  	_ =	shalt  }
0x4a: {  	_ =	shalt  }
0x4b: {  	_ =	shalt  }
0x4c: {  	_ =	shalt  }
0x4d: {  	_ =	shalt  }
0x4e: {  	_ =	shalt  }
0x4f: {  	_ =	shalt  }
0x50: {  	_ =	shalt  }
0x51: {  	_ =	shalt  }
0x52: {  	_ =	shalt  }
0x53: {  	_ =	shalt  }
0x54: {  	_ =	shalt  }
0x55: {  	_ =	shalt  }
0x56: {  	_ =	shalt  }
0x57: {  	_ =	shalt  }
0x58: {  	_ =	shalt  }
0x59: {  	_ =	shalt  }
0x5a: {  	_ =	shalt  }
0x5b: {  	_ =	shalt  }
0x5c: {  	_ =	shalt  }
0x5d: {  	_ =	shalt  }
0x5e: {  	_ =	shalt  }
0x5f: {  	_ =	shalt  }
0x60: {  	_ =	shalt  }
0x61: {  	_ =	shalt  }
0x62: {  	_ =	shalt  }
0x63: {  	_ =	shalt  }
0x64: {  	_ =	shalt  }
0x65: {  	_ =	shalt  }
0x66: {  	_ =	shalt  }
0x67: {  	_ =	shalt  }
0x68: {  	_ =	shalt  }
0x69: {  	_ =	shalt  }
0x6a: {  	_ =	shalt  }
0x6b: {  	_ =	shalt  }
0x6c: {  	_ =	shalt  }
0x6d: {  	_ =	shalt  }
0x6e: {  	_ =	shalt  }
0x6f: {  	_ =	shalt  }
0x70: {  	_ =	shalt  }
0x71: {  	_ =	shalt  }
0x72: {  	_ =	shalt  }
0x73: {  	_ =	shalt  }
0x74: {  	_ =	shalt  }
0x75: {  	_ =	shalt  }
0x76: {  	_ =	shalt  }
0x77: {  	_ =	shalt  }
0x78: {  	_ =	shalt  }
0x79: {  	_ =	shalt  }
0x7a: {  	_ =	shalt  }
0x7b: {  	_ =	shalt  }
0x7c: {  	_ =	shalt  }
0x7d: {  	_ =	shalt  }
0x7e: {  	_ =	shalt  }
0x7f: {  	_ =	shalt  }
0x80: {  	_ =	shalt  }
0x81: {  	_ =	shalt  }
0x82: {  	_ =	shalt  }
0x83: {  	_ =	shalt  }
0x84: {  	_ =	shalt  }
0x85: {  	_ =	shalt  }
0x86: {  	_ =	shalt  }
0x87: {  	_ =	shalt  }
.Lfunc_end0:
.L_simem_size_0:
called_computation_lowered:
.L_overlay_start_0:
0x88: {  	s2 =	sld [smem:$0x3FD9]  }
0x89: {  	s3 =	sld [smem:$0x3FFE];
	_ =	sdelay $0x1  }
0x8a: {  	s1 =	srdreg.scid  }
0x8b: {  	s0 =	sand.u32 $0x1, s1  }
0x8c: {  	s17 =	sshll.u32 s0, $0xA;
	s2 =	sadd.s32 s3, s2  }
0x8d: {  	s2 =	sadd.s32 s2, s17  }
0x8e: {  	[smem:$0x3FC6] =	sst s2  }
0x8f: {  	_ = 	snop  }
0x90: {  	s2 =	sld [smem:$0x3FC9];
	(tm) =	ssettm $0x1  }
0x91: {  	s18 =	sld [smem:$0x3FFB];
	_ =	sdelay $0x3  }
0x92: {  	_ =	strace s18  }
0x93: {  	s3 =	sld [smem:$0x3FFC];
	_ =	sdelay $0x3  }
0x94: {  	_ =	strace s3  }
0x95: {  	s3 =	sld [smem:$0x3FFD];
	_ =	sdelay $0x3  }
0x96: {  	_ =	strace s3  }
0x97: {  	_ =	strace $0x8FFFFFFF  }
0x98: {  	s19 =	sld [smem:$0x3FDB];
	_ =	sdelay $0x1  }
0x99: {  	s4 =	simm.s32 $_scs_section_size  }
0x9a: {  	s5 =	simm.s32 $_size__tile_overlayer_lowered;
	s6 =	simm.s32 $_tile_overlayer_lowered  }
0x9b: {  	s22 =	simm.s32 $0x1BFF;
	s21 =	sshll.u32 s6, $0x1;
	s3 =	sadd.s32 s4, s19  }
0x9c: {  	s7 =	simm.s32 $0x0;
	s20 =	sshll.u32 s5, $0x1;
	s5 =	sadd.s32 s21, s3  }
0x9d: {  	[timem:s7], [sflag:s22] =	dma.local [hbm:s5], s20  }
0x9e: {  	_ =	swait.ge [sflag:s22], s20  }
0x9f: {  	s4 =	ssub.s32 $0x0, s20;
	[sflag:s22] =	ssyncset.done $0x0  }
0xa0: {  	[sflag:s22] =	ssyncadd.s32 s4;
	_ =	sdelay $0x1  }
0xa1: {  	s23 =	simm.s32 $0x1B8B  }
0xa2: {  	_ =	swait.ge [sflag:s23], $0x1  }
0xa3: {  	[sflag:s23] =	ssyncset.done $0x0  }
0xa4: {  	s25 =	simm.s32 $0x1B8E;
	s24 =	sld [smem:$0x3FFE];
	[sflag:s23] =	ssyncadd.s32 $0xFFFFFFFF  }
0xa5: {  	s26 =	simm.s32 $execute0_lowered;
	[smem:$0x3FD2] =	sst s25  }
0xa6: {  	s5 =	sshll.u32 s26, $0x1;
	_ =	strace $0x80000046;
	[dreg:$0x1] =	wrdreg $0xFFFFFFFF  }
0xa7: {  	s28 =	simm.s32 $_size_execute0_lowered;
	s3 =	sadd.s32 s3, s5;
	[dreg:$0x0] =	wrdreg $0x0  }
0xa8: {  	s5 =	sshll.u32 s28, $0x1;
	[dreg:$0x2] =	wrdreg s3  }
0xa9: {  	[dreg:$0x3] =	wrdreg s5  }
0xaa: {  	[dreg:$0x4] =	wrdreg $0xC0  }
0xab: {  	_ =	task [dreg:s7], $0x5FFFF  }
0xac: {  	[dreg:$0x1] =	wrdreg $0xFFFFFFFF  }
0xad: {  	[dreg:$0x0] =	wrdreg $0x60  }
0xae: {  	[dreg:$0x2] =	wrdreg s2  }
0xaf: {  	[dreg:$0x3] =	wrdreg s24  }
0xb0: {  	[dreg:$0x4] =	wrdreg $0x9  }
0xb1: {  	_ =	task.clear_ibuf [dreg:s7], $0x5FFFF;
	_ =	strace $0x90000046  }
0xb2: {  	s29 =	simm.s32 $0x9;
	_ =	strace $0x80000048  }
0xb3: {  	_ =	swait.ge [sflag:s29], $0x1  }
0xb4: {  	[sflag:s29] =	ssyncadd.s32 $0xFFFFFFFF  }
0xb5: {  	_ =	strace $0x90000048  }
0xb6: {  	_ =	sfence  }
0xb7: {  	s30 =	sld [smem:$0x0];
	_ =	sdelay $0x2  }
0xb8: {  	s31 =	sshll.u32 s1, $0xD;
	s1 =	sshrl.u32 s1, $0x2  }
0xb9: {  	s3 =	sand.u32 $0x4000, s31;
	s1 =	sadd.s32 s1, s30  }
0xba: {  	s0 =	sor.u32 s3, s0;
	s1 =	sshll.u32 s1, $0x11  }
0xbb: {  	s0 =	sor.u32 s1, s0  }
0xbc: {  	s0 =	sadd.s32 $0x8F2B, s0  }
0xbd: {  	[sflag:s0] =	ssyncadd.remote.s32 $0x1  }
0xbe: {  	_ =	sfence.sel $0xFFFF  }
0xbf: {  	[dreg:$0x0] =	wrdreg $0xFFFFFFFF;
	(pc) =	sbr.abs _section_cstart, $3  }
0xc0: {  	[dreg:$0x1] =	wrdreg $0xFFFFFFFF  }
0xc1: {  	_ =	task.clear_ibuf [dreg:s7], $0x2FFFF;
	_ =	strace $0x9FFFFFFF  }
0xc2: {  	(tm) =	ssettm $0x7FFFFFFF  }
0xc3: {  	_ =	shalt  }
tec
execute0_lowered:
.L_overlay_start_1:
0x0: {  	(tag) =	ssettag $0x1  }
0x1: {  	s4 =	rddreg [dreg:$0x0]  }
0x2: {  	s5 =	rddreg [dreg:$0x1]  }
0x3: {  	s0 =	rddreg [dreg:$0x2];
	s3 =	srdreg.scid  }
0x4: {  	s2 =	simm.s32 $0x0;
	s1 =	stileid.u32;
	s10 =	simm.s32 $0x1  }
0x5: {  	s11 =	simm.s32 $0x200;
	s12 =	simm.s32 $0x0;
	s3 =	sand.u32 $0x1, s3  }
0x6: {  	[smem:$0x7FF] =	sst s2;
	s6 =	sshll.u32 s1, $0xA;
	s7 =	sshll.u32 s3, $0x9  }
0x7: {  	_ =	strace $0x80000047;
	s31 =	ssub.s32 $0x2, s3;
	s6 =	sor.u32 s7, s6  }
0x8: {  	s3 =	sadd.s32 $0x400, s5;
	s9 =	sshrl.u32 s31, $0x1;
	s8 =	sshll.u32 s6, $0x4  }
0x9: {  	s7 =	ssub.s32 s31, s9;
	s6 =	sshrl.u32 s6, $0x3;
	s9 =	simm.s32 $0x400  }
0xa: {  	s5 =	sadd.s32 s8, s5;
	s4 =	sadd.s32 s4, s6;
	s6 =	smax.u32 s7, $0x1  }
0xb: {  	s7 =	simm.s32 $0x2;
	s8 =	simm.s32 $0x80;
	s5 =	sadd.s32 $0xF42800, s5  }
.LBB2_1:
0xc: {  	[tilespmem:s2], [sflag:$0x2] =	stream.linear.gather [hbm4b:s4+s2], $0x200, $0x38;
	[tilespmem:$0x10200] =	vst v63  }
0xd: {  	_ =	swait.ge [sflag:s7], $0x200  }
0xe: {  	[sflag:s7] =	ssyncset.done $0x0  }
0xf: {  	[sflag:s7] =	ssyncadd.s32 $0xFFFFFE00  }
0x10: {  	v0 =	vld [tilespmem:s2+$0x0];
	_ =	sdelay $0x4  }
0x11: {  	v0 =	vshll.u32 v0, $0x4  }
0x12: {  	(v2sf) =	vpush v0, $0x0;
	_ =	sdelay $0x1  }
0x13: {  	(v2sf) =	vpush v0, $0x1;
	_ =	sdelay $0x3  }
0x14: {  	(v2sf) =	vpush v0, $0x2;
	_ =	sdelay $0x3  }
0x15: {  	(v2sf) =	vpush v0, $0x3;
	_ =	sdelay $0x3  }
0x16: {  	(v2sf) =	vpush v0, $0x4  }
0x17: {  	s13 =	spop (v2sf)  }
0x18: {  	s13 =	sand.u32 $0x1FFFFFF0, s13  }
0x19: {  	s15 =	simm.s32 $0x200;
	s14 =	spop (v2sf);
	s13 =	sadd.s32 s3, s13  }
0x1a: {  	(v2sf) =	vpush v0, $0x5;
	[tilespmem:s15], [sflag:$0x1] =	stream.strided.gather [hbm4b:s13+s8], $0x0, s9, s8, $0x38;
	[tilespmem:$0x10200] =	vst v63  }
0x1b: {  	s14 =	sand.u32 $0x1FFFFFF0, s14  }
0x1c: {  	[tilespmem:s15], [sflag:$0x1] =	stream.linear.gather [hbm4b:s13+s2], $0x40, $0x38;
	[tilespmem:$0x10200] =	vst v63  }
0x1d: {  	s19 =	simm.s32 $0x280;
	s20 =	spop (v2sf);
	s14 =	sadd.s32 s3, s14  }
0x1e: {  	(v2sf) =	vpush v0, $0x6;
	[tilespmem:s19], [sflag:$0x1] =	stream.strided.gather [hbm4b:s14+s8], $0x0, s9, s8, $0x38;
	[tilespmem:$0x10200] =	vst v63  }
0x1f: {  	s15 =	sand.u32 $0x1FFFFFF0, s20  }
0x20: {  	[tilespmem:s19], [sflag:$0x1] =	stream.linear.gather [hbm4b:s14+s2], $0x40, $0x38;
	[tilespmem:$0x10200] =	vst v63  }
0x21: {  	s22 =	simm.s32 $0x300;
	s21 =	spop (v2sf);
	s15 =	sadd.s32 s3, s15  }
0x22: {  	(v2sf) =	vpush v0, $0x7;
	[tilespmem:s22], [sflag:$0x1] =	stream.strided.gather [hbm4b:s15+s8], $0x0, s9, s8, $0x38;
	[tilespmem:$0x10200] =	vst v63  }
0x23: {  	s13 =	sand.u32 $0x1FFFFFF0, s21  }
0x24: {  	[tilespmem:s22], [sflag:$0x1] =	stream.linear.gather [hbm4b:s15+s2], $0x40, $0x38;
	[tilespmem:$0x10200] =	vst v63  }
0x25: {  	s24 =	simm.s32 $0x380;
	s23 =	spop (v2sf);
	s13 =	sadd.s32 s3, s13  }
0x26: {  	(v2sf) =	vpush v0, $0x8;
	[tilespmem:s24], [sflag:$0x1] =	stream.strided.gather [hbm4b:s13+s8], $0x0, s9, s8, $0x38;
	[tilespmem:$0x10200] =	vst v63  }
0x27: {  	s14 =	sand.u32 $0x1FFFFFF0, s23  }
0x28: {  	[tilespmem:s24], [sflag:$0x1] =	stream.linear.gather [hbm4b:s13+s2], $0x40, $0x38;
	[tilespmem:$0x10200] =	vst v63  }
0x29: {  	s26 =	simm.s32 $0x400;
	s14 =	sadd.s32 s3, s14;
	s25 =	spop (v2sf)  }
0x2a: {  	(v2sf) =	vpush v0, $0x9;
	[tilespmem:s26], [sflag:$0x1] =	stream.strided.gather [hbm4b:s14+s8], $0x0, s9, s8, $0x38;
	[tilespmem:$0x10200] =	vst v63  }
0x2b: {  	s13 =	sand.u32 $0x1FFFFFF0, s25  }
0x2c: {  	[tilespmem:s26], [sflag:$0x1] =	stream.linear.gather [hbm4b:s14+s2], $0x40, $0x38;
	[tilespmem:$0x10200] =	vst v63  }
0x2d: {  	s29 =	simm.s32 $0x480;
	s28 =	spop (v2sf);
	s13 =	sadd.s32 s3, s13  }
0x2e: {  	(v2sf) =	vpush v0, $0xA;
	[tilespmem:s29], [sflag:$0x1] =	stream.strided.gather [hbm4b:s13+s8], $0x0, s9, s8, $0x38;
	[tilespmem:$0x10200] =	vst v63  }
0x2f: {  	s14 =	sand.u32 $0x1FFFFFF0, s28  }
0x30: {  	[tilespmem:s29], [sflag:$0x1] =	stream.linear.gather [hbm4b:s13+s2], $0x40, $0x38;
	[tilespmem:$0x10200] =	vst v63  }
0x31: {  	s31 =	simm.s32 $0x500;
	s30 =	spop (v2sf);
	s14 =	sadd.s32 s3, s14  }
0x32: {  	(v2sf) =	vpush v0, $0xB;
	[tilespmem:s31], [sflag:$0x1] =	stream.strided.gather [hbm4b:s14+s8], $0x0, s9, s8, $0x38;
	[tilespmem:$0x10200] =	vst v63  }
0x33: {  	s13 =	sand.u32 $0x1FFFFFF0, s30  }
0x34: {  	[tilespmem:s31], [sflag:$0x1] =	stream.linear.gather [hbm4b:s14+s2], $0x40, $0x38;
	[tilespmem:$0x10200] =	vst v63  }
0x35: {  	s16 =	simm.s32 $0x580;
	s15 =	spop (v2sf);
	s13 =	sadd.s32 s3, s13  }
0x36: {  	(v2sf) =	vpush v0, $0xC;
	[tilespmem:s16], [sflag:$0x1] =	stream.strided.gather [hbm4b:s13+s8], $0x0, s9, s8, $0x38;
	[tilespmem:$0x10200] =	vst v63  }
0x37: {  	s14 =	sand.u32 $0x1FFFFFF0, s15  }
0x38: {  	[tilespmem:s16], [sflag:$0x1] =	stream.linear.gather [hbm4b:s13+s2], $0x40, $0x38;
	[tilespmem:$0x10200] =	vst v63  }
0x39: {  	s18 =	simm.s32 $0x600;
	s17 =	spop (v2sf);
	s14 =	sadd.s32 s3, s14  }
0x3a: {  	(v2sf) =	vpush v0, $0xD;
	[tilespmem:s18], [sflag:$0x1] =	stream.strided.gather [hbm4b:s14+s8], $0x0, s9, s8, $0x38;
	[tilespmem:$0x10200] =	vst v63  }
0x3b: {  	s13 =	sand.u32 $0x1FFFFFF0, s17  }
0x3c: {  	[tilespmem:s18], [sflag:$0x1] =	stream.linear.gather [hbm4b:s14+s2], $0x40, $0x38;
	[tilespmem:$0x10200] =	vst v63  }
0x3d: {  	s20 =	simm.s32 $0x680;
	s19 =	spop (v2sf);
	s13 =	sadd.s32 s3, s13  }
0x3e: {  	(v2sf) =	vpush v0, $0xE;
	[tilespmem:s20], [sflag:$0x1] =	stream.strided.gather [hbm4b:s13+s8], $0x0, s9, s8, $0x38;
	[tilespmem:$0x10200] =	vst v63  }
0x3f: {  	s14 =	sand.u32 $0x1FFFFFF0, s19  }
0x40: {  	[tilespmem:s20], [sflag:$0x1] =	stream.linear.gather [hbm4b:s13+s2], $0x40, $0x38;
	[tilespmem:$0x10200] =	vst v63  }
0x41: {  	s22 =	simm.s32 $0x700;
	s21 =	spop (v2sf);
	s14 =	sadd.s32 s3, s14  }
0x42: {  	(v2sf) =	vpush v0, $0xF;
	[tilespmem:s22], [sflag:$0x1] =	stream.strided.gather [hbm4b:s14+s8], $0x0, s9, s8, $0x38;
	[tilespmem:$0x10200] =	vst v63  }
0x43: {  	s13 =	sand.u32 $0x1FFFFFF0, s21  }
0x44: {  	[tilespmem:s22], [sflag:$0x1] =	stream.linear.gather [hbm4b:s14+s2], $0x40, $0x38;
	[tilespmem:$0x10200] =	vst v63  }
0x45: {  	s24 =	simm.s32 $0x780;
	s23 =	spop (v2sf);
	s13 =	sadd.s32 s3, s13  }
0x46: {  	[tilespmem:s24], [sflag:$0x1] =	stream.strided.gather [hbm4b:s13+s8], $0x0, s9, s8, $0x38;
	[tilespmem:$0x10200] =	vst v63  }
0x47: {  	s14 =	sand.u32 $0x1FFFFFF0, s23  }
0x48: {  	[tilespmem:s24], [sflag:$0x1] =	stream.linear.gather [hbm4b:s13+s2], $0x40, $0x38;
	[tilespmem:$0x10200] =	vst v63  }
0x49: {  	s26 =	simm.s32 $0x800;
	s25 =	spop (v2sf);
	s14 =	sadd.s32 s3, s14  }
0x4a: {  	[tilespmem:s26], [sflag:$0x1] =	stream.strided.gather [hbm4b:s14+s8], $0x0, s9, s8, $0x38;
	[tilespmem:$0x10200] =	vst v63  }
0x4b: {  	s13 =	sand.u32 $0x1FFFFFF0, s25  }
0x4c: {  	[tilespmem:s26], [sflag:$0x1] =	stream.linear.gather [hbm4b:s14+s2], $0x40, $0x38;
	[tilespmem:$0x10200] =	vst v63  }
0x4d: {  	s29 =	simm.s32 $0x880;
	s28 =	spop (v2sf);
	s13 =	sadd.s32 s3, s13  }
0x4e: {  	[tilespmem:s29], [sflag:$0x1] =	stream.strided.gather [hbm4b:s13+s8], $0x0, s9, s8, $0x38;
	[tilespmem:$0x10200] =	vst v63  }
0x4f: {  	s14 =	sand.u32 $0x1FFFFFF0, s28  }
0x50: {  	[tilespmem:s29], [sflag:$0x1] =	stream.linear.gather [hbm4b:s13+s2], $0x40, $0x38;
	[tilespmem:$0x10200] =	vst v63  }
0x51: {  	s31 =	simm.s32 $0x900;
	s30 =	spop (v2sf);
	s14 =	sadd.s32 s3, s14  }
0x52: {  	[tilespmem:s31], [sflag:$0x1] =	stream.strided.gather [hbm4b:s14+s8], $0x0, s9, s8, $0x38;
	[tilespmem:$0x10200] =	vst v63  }
0x53: {  	s15 =	simm.s32 $0x980;
	s13 =	sand.u32 $0x1FFFFFF0, s30  }
0x54: {  	[tilespmem:s31], [sflag:$0x1] =	stream.linear.gather [hbm4b:s14+s2], $0x40, $0x38;
	[tilespmem:$0x10200] =	vst v63  }
0x55: {  	s16 =	sadd.s32 s3, s13;
	s13 =	simm.s32 $0x2000;
	s14 =	simm.s32 $0x0  }
0x56: {  	[tilespmem:s15], [sflag:$0x1] =	stream.strided.gather [hbm4b:s16+s8], $0x0, s9, s8, $0x38;
	[tilespmem:$0x10200] =	vst v63  }
.LBB2_2:
0x57: {  	p0 =	sne.s32 s13, $0x3E000  }
0x58: {  	s14 =	sadd.s32 $0x10, s14;
	s17 =	smov.u32 s13;
	s13 =	sadd.s32 $0x2000, s13  }
0x59: {  	[tilespmem:s15], [sflag:$0x1] =	stream.linear.gather [hbm4b:s16+s2], $0x40, $0x38;
	[tilespmem:$0x10200] =	vst v63  }
0x5a: {  	v0 =	vld [tilespmem:s14+$0x0];
	_ =	sdelay $0x4  }
0x5b: {  	v0 =	vshll.u32 v0, $0x4  }
0x5c: {  	(v2sf) =	vpush v0, $0x0  }
0x5d: {  	(v2sf) =	vpush v0, $0x1  }
0x5e: {  	(v2sf) =	vpush v0, $0x2;
	_ =	sdelay $0x2  }
0x5f: {  	(v2sf) =	vpush v0, $0x3;
	_ =	sdelay $0x1  }
0x60: {  	(v2sf) =	vpush v0, $0x4;
	_ =	sdelay $0x1  }
0x61: {  	(v2sf) =	vpush v0, $0x5;
	_ =	sdelay $0x1  }
0x62: {  	(v2sf) =	vpush v0, $0x6;
	_ =	sdelay $0x1  }
0x63: {  	(v2sf) =	vpush v0, $0x7;
	_ =	sdelay $0x1  }
0x64: {  	s16 =	spop (v2sf);
	(v2sf) =	vpush v0, $0x8  }
0x65: {  	s15 =	sshra.s32 s17, $0x2;
	s16 =	sand.u32 $0x1FFFFFF0, s16;
	s17 =	spop (v2sf)  }
0x66: {  	s18 =	sadd.s32 $0x280, s15;
	s16 =	sadd.s32 s3, s16;
	s19 =	spop (v2sf);
	(v2sf) =	vpush v0, $0x9  }
0x67: {  	s20 =	sadd.s32 $0x200, s15;
	s17 =	sand.u32 $0x1FFFFFF0, s17;
	s19 =	sand.u32 $0x1FFFFFF0, s19  }
0x68: {  	[tilespmem:s20], [sflag:$0x1] =	stream.strided.gather [hbm4b:s16+s8], $0x0, s9, s8, $0x38;
	(v2sf) =	vpush v0, $0xA;
	[tilespmem:$0x10200] =	vst v63  }
0x69: {  	s21 =	spop (v2sf)  }
0x6a: {  	[tilespmem:s20], [sflag:$0x1] =	stream.linear.gather [hbm4b:s16+s2], $0x40, $0x38;
	(v2sf) =	vpush v0, $0xB;
	[tilespmem:$0x10200] =	vst v63  }
0x6b: {  	s16 =	sadd.s32 s3, s17;
	s17 =	sand.u32 $0x1FFFFFF0, s21;
	s20 =	spop (v2sf)  }
0x6c: {  	[tilespmem:s18], [sflag:$0x1] =	stream.strided.gather [hbm4b:s16+s8], $0x0, s9, s8, $0x38;
	(v2sf) =	vpush v0, $0xC;
	[tilespmem:$0x10200] =	vst v63  }
0x6d: {  	s21 =	sadd.s32 $0x300, s15;
	s20 =	sand.u32 $0x1FFFFFF0, s20;
	s22 =	spop (v2sf)  }
0x6e: {  	[tilespmem:s18], [sflag:$0x1] =	stream.linear.gather [hbm4b:s16+s2], $0x40, $0x38;
	[tilespmem:$0x10200] =	vst v63  }
0x6f: {  	s16 =	sadd.s32 s3, s19;
	s18 =	sand.u32 $0x1FFFFFF0, s22;
	s19 =	spop (v2sf)  }
0x70: {  	[tilespmem:s21], [sflag:$0x1] =	stream.strided.gather [hbm4b:s16+s8], $0x0, s9, s8, $0x38;
	(v2sf) =	vpush v0, $0xD;
	[tilespmem:$0x10200] =	vst v63  }
0x71: {  	s22 =	sadd.s32 $0x380, s15;
	s19 =	sand.u32 $0x1FFFFFF0, s19;
	s23 =	spop (v2sf)  }
0x72: {  	[tilespmem:s21], [sflag:$0x1] =	stream.linear.gather [hbm4b:s16+s2], $0x40, $0x38;
	[tilespmem:$0x10200] =	vst v63  }
0x73: {  	s16 =	sadd.s32 s3, s17;
	s17 =	sand.u32 $0x1FFFFFF0, s23;
	s21 =	spop (v2sf)  }
0x74: {  	[tilespmem:s22], [sflag:$0x1] =	stream.strided.gather [hbm4b:s16+s8], $0x0, s9, s8, $0x38;
	(v2sf) =	vpush v0, $0xE;
	[tilespmem:$0x10200] =	vst v63  }
0x75: {  	s23 =	sadd.s32 $0x400, s15;
	s21 =	sand.u32 $0x1FFFFFF0, s21;
	s24 =	spop (v2sf)  }
0x76: {  	[tilespmem:s22], [sflag:$0x1] =	stream.linear.gather [hbm4b:s16+s2], $0x40, $0x38;
	[tilespmem:$0x10200] =	vst v63  }
0x77: {  	s16 =	sadd.s32 s3, s20;
	s20 =	sand.u32 $0x1FFFFFF0, s24;
	s22 =	spop (v2sf)  }
0x78: {  	[tilespmem:s23], [sflag:$0x1] =	stream.strided.gather [hbm4b:s16+s8], $0x0, s9, s8, $0x38;
	(v2sf) =	vpush v0, $0xF;
	[tilespmem:$0x10200] =	vst v63  }
0x79: {  	s24 =	sadd.s32 $0x480, s15;
	s22 =	sand.u32 $0x1FFFFFF0, s22;
	s25 =	spop (v2sf)  }
0x7a: {  	[tilespmem:s23], [sflag:$0x1] =	stream.linear.gather [hbm4b:s16+s2], $0x40, $0x38;
	[tilespmem:$0x10200] =	vst v63  }
0x7b: {  	s16 =	sadd.s32 s3, s18;
	s18 =	sand.u32 $0x1FFFFFF0, s25;
	s23 =	spop (v2sf)  }
0x7c: {  	[tilespmem:s24], [sflag:$0x1] =	stream.strided.gather [hbm4b:s16+s8], $0x0, s9, s8, $0x38;
	[tilespmem:$0x10200] =	vst v63  }
0x7d: {  	s19 =	sadd.s32 s3, s19;
	s25 =	sadd.s32 $0x500, s15;
	s23 =	sand.u32 $0x1FFFFFF0, s23  }
0x7e: {  	[tilespmem:s24], [sflag:$0x1] =	stream.linear.gather [hbm4b:s16+s2], $0x40, $0x38;
	[tilespmem:$0x10200] =	vst v63  }
0x7f: {  	s16 =	spop (v2sf)  }
0x80: {  	[tilespmem:s25], [sflag:$0x1] =	stream.strided.gather [hbm4b:s19+s8], $0x0, s9, s8, $0x38;
	[tilespmem:$0x10200] =	vst v63  }
0x81: {  	s17 =	sadd.s32 s3, s17;
	s24 =	sadd.s32 $0x580, s15;
	s16 =	sand.u32 $0x1FFFFFF0, s16  }
0x82: {  	[tilespmem:s25], [sflag:$0x1] =	stream.linear.gather [hbm4b:s19+s2], $0x40, $0x38;
	[tilespmem:$0x10200] =	vst v63  }
0x83: {  	s19 =	spop (v2sf)  }
0x84: {  	[tilespmem:s24], [sflag:$0x1] =	stream.strided.gather [hbm4b:s17+s8], $0x0, s9, s8, $0x38;
	[tilespmem:$0x10200] =	vst v63  }
0x85: {  	s21 =	sadd.s32 s3, s21;
	s25 =	sadd.s32 $0x600, s15;
	s19 =	sand.u32 $0x1FFFFFF0, s19  }
0x86: {  	[tilespmem:s24], [sflag:$0x1] =	stream.linear.gather [hbm4b:s17+s2], $0x40, $0x38;
	[tilespmem:$0x10200] =	vst v63  }
0x87: {  	s17 =	spop (v2sf)  }
0x88: {  	[tilespmem:s25], [sflag:$0x1] =	stream.strided.gather [hbm4b:s21+s8], $0x0, s9, s8, $0x38;
	[tilespmem:$0x10200] =	vst v63  }
0x89: {  	s20 =	sadd.s32 s3, s20;
	s24 =	sadd.s32 $0x680, s15;
	s17 =	sand.u32 $0x1FFFFFF0, s17  }
0x8a: {  	[tilespmem:s25], [sflag:$0x1] =	stream.linear.gather [hbm4b:s21+s2], $0x40, $0x38;
	[tilespmem:$0x10200] =	vst v63  }
0x8b: {  	_ = 	snop  }
0x8c: {  	[tilespmem:s24], [sflag:$0x1] =	stream.strided.gather [hbm4b:s20+s8], $0x0, s9, s8, $0x38;
	[tilespmem:$0x10200] =	vst v63  }
0x8d: {  	s22 =	sadd.s32 s3, s22;
	s21 =	sadd.s32 $0x700, s15  }
0x8e: {  	[tilespmem:s24], [sflag:$0x1] =	stream.linear.gather [hbm4b:s20+s2], $0x40, $0x38;
	[tilespmem:$0x10200] =	vst v63  }
0x8f: {  	_ = 	snop  }
0x90: {  	[tilespmem:s21], [sflag:$0x1] =	stream.strided.gather [hbm4b:s22+s8], $0x0, s9, s8, $0x38;
	[tilespmem:$0x10200] =	vst v63  }
0x91: {  	s18 =	sadd.s32 s3, s18;
	s20 =	sadd.s32 $0x780, s15  }
0x92: {  	[tilespmem:s21], [sflag:$0x1] =	stream.linear.gather [hbm4b:s22+s2], $0x40, $0x38;
	[tilespmem:$0x10200] =	vst v63  }
0x93: {  	_ = 	snop  }
0x94: {  	[tilespmem:s20], [sflag:$0x1] =	stream.strided.gather [hbm4b:s18+s8], $0x0, s9, s8, $0x38;
	[tilespmem:$0x10200] =	vst v63  }
0x95: {  	s21 =	sadd.s32 $0x800, s15;
	s22 =	sadd.s32 s3, s23  }
0x96: {  	[tilespmem:s20], [sflag:$0x1] =	stream.linear.gather [hbm4b:s18+s2], $0x40, $0x38;
	[tilespmem:$0x10200] =	vst v63  }
0x97: {  	_ = 	snop  }
0x98: {  	[tilespmem:s21], [sflag:$0x1] =	stream.strided.gather [hbm4b:s22+s8], $0x0, s9, s8, $0x38;
	[tilespmem:$0x10200] =	vst v63  }
0x99: {  	s16 =	sadd.s32 s3, s16;
	s18 =	sadd.s32 $0x880, s15  }
0x9a: {  	[tilespmem:s21], [sflag:$0x1] =	stream.linear.gather [hbm4b:s22+s2], $0x40, $0x38;
	[tilespmem:$0x10200] =	vst v63  }
0x9b: {  	_ = 	snop  }
0x9c: {  	[tilespmem:s18], [sflag:$0x1] =	stream.strided.gather [hbm4b:s16+s8], $0x0, s9, s8, $0x38;
	[tilespmem:$0x10200] =	vst v63  }
0x9d: {  	s19 =	sadd.s32 s3, s19;
	s20 =	sadd.s32 $0x900, s15  }
0x9e: {  	[tilespmem:s18], [sflag:$0x1] =	stream.linear.gather [hbm4b:s16+s2], $0x40, $0x38;
	[tilespmem:$0x10200] =	vst v63  }
0x9f: {  	_ = 	snop  }
0xa0: {  	[tilespmem:s20], [sflag:$0x1] =	stream.strided.gather [hbm4b:s19+s8], $0x0, s9, s8, $0x38;
	[tilespmem:$0x10200] =	vst v63  }
.Ltmp0:
0xa1: {  	_ = 	snop;
	(pc) =	sbr.rel @p0 .LBB2_2-.Ltmp0, $4  }
0xa2: {  	s15 =	sadd.s32 $0x980, s15;
	s16 =	sadd.s32 s3, s17  }
0xa3: {  	[tilespmem:s20], [sflag:$0x1] =	stream.linear.gather [hbm4b:s19+s2], $0x40, $0x38;
	[tilespmem:$0x10200] =	vst v63  }
0xa4: {  	_ = 	snop  }
0xa5: {  	[tilespmem:s15], [sflag:$0x1] =	stream.strided.gather [hbm4b:s16+s8], $0x0, s9, s8, $0x38;
	[tilespmem:$0x10200] =	vst v63  }
0xa6: {  	[tilespmem:s15], [sflag:$0x1] =	stream.linear.gather [hbm4b:s16+s2], $0x40, $0x38;
	[tilespmem:$0x10200] =	vst v63  }
0xa7: {  	s12 =	sadd.s32 $0x1, s12;
	_ =	swait.ge [sflag:s10], $0x8000  }
0xa8: {  	p0 =	sne.s32 s12, s6;
	[sflag:s10] =	ssyncset.done $0x0  }
.Ltmp1:
0xa9: {  	[sflag:s10] =	ssyncadd.s32 $0xFFFF8000;
	(pc) =	sbr.rel @p0 .LBB2_1-.Ltmp1, $4  }
0xaa: {  	[hbm4b:s5+s2] =	stream.linear.scatter [tilespmem:s11], [sflag:$0x2], $0x10000, $0x38;
	[tilespmem:$0x10200] =	vst v63  }
0xab: {  	_ =	swait.ge [sflag:s7], $0x10000  }
0xac: {  	[sflag:s7] =	ssyncset.done $0x0  }
0xad: {  	[sflag:s7] =	ssyncadd.s32 $0xFFFF0000  }
0xae: {  	_ =	sfence.sel $0x180000  }
0xaf: {  	[bflag:$0x0] =	sbarrier.arrive $0xFFFF  }
0xb0: {  	p0 =	sne.s32 s1, $0x0;
	_ =	strace $0x90000047  }
0xb1: {  	s0 =	sadd.s32 @!p0 $0x100000, s0;
	[bflag:$0x2] =	sbarrier.arrive $0xFFFF  }
0xb2: {  	[sflag:s0] =	ssyncadd.tile.s32 @!p0 $0x1;
	_ =	shalt  }
.Lfunc_end2:
_tile_overlayer_lowered:
.L_overlay_start_2:
0xb3: {  	(tag) =	ssettag $0x2  }
0xb4: {  	s0 =	rddreg [dreg:$0x0];
	s2 =	stileid.u32  }
0xb5: {  	s1 =	rddreg [dreg:$0x1];
	p0 =	sne.s32 s2, $0x0  }
0xb6: {  	s3 =	rddreg [dreg:$0x2];
	[bflag:$0x3] =	sbarrier.arrive $0xFFFF;
	s2 =	simm.s32 @!p0 $0x1C02  }
0xb7: {  	[timem:s3], [sflag:s2] =	dma.local @!p0 [hbm:s0], s1  }
0xb8: {  	s0 =	simm.s32 @!p0 $0x2  }
0xb9: {  	_ =	swait.ge @!p0 [sflag:s0], s1  }
0xba: {  	s1 =	ssub.s32 @!p0 $0x0, s1;
	[sflag:s0] =	ssyncset.done @!p0 $0x0  }
0xbb: {  	[sflag:s0] =	ssyncadd.s32 @!p0 s1  }
0xbc: {  	[bflag:$0x3] =	sbarrier.arrive $0xFFFF  }
0xbd: {  	_ =	shalt  }

</sc_bundles>
